<compile_context>
chip_gen: v7x
topology: tpu7x:2x2x1
jax: 0.10.2.dev20260603
libtpu: 0.0.44.dev20260713+nightly
codegen_flags: <defaults>
</compile_context>

<pallas_src>
import functools

import jax
import jax.numpy as jnp
from jax import lax
from jax.experimental import pallas as pl
from jax.experimental.pallas import tpu as pltpu
from jax.experimental.pallas import tpu_sc as plsc

N = 1000
C = 91
IN_CH = 256 * 7 * 7
MID = 1024
IMG_H = 800.0
IMG_W = 1066.0
SCORE_THRESH = 0.1
NMS_THRESH = 0.6
MAX_DET = 100
PRE_NMS = 1000

KBLK = 1792
NKB = IN_CH // KBLK
CPAD = 128
NBOX = 1024
BN = 128
NPOOL = 12
LPOOL = 16

_NT = (((1,), (1,)), ((), ()))


KWIN = 3200


def _dot_body(a_ref, b_ref, o_ref):
    o_ref[...] = jax.lax.dot_general(a_ref[...], b_ref[...], _NT,
                                     preferred_element_type=jnp.float32)


def _pallas_dot(a, b):
    return pl.pallas_call(
        _dot_body,
        out_shape=jax.ShapeDtypeStruct((a.shape[0], b.shape[0]), jnp.float32),
    )(a, b)


def _pallas_dot_win(x, w1, widx):
    return pl.pallas_call(
        _dot_body,
        grid=(1,),
        in_specs=[pl.BlockSpec((N, KWIN), lambda i: (0, widx)),
                  pl.BlockSpec((MID, KWIN), lambda i: (0, widx))],
        out_specs=pl.BlockSpec((N, MID), lambda i: (0, 0)),
        out_shape=jax.ShapeDtypeStruct((N, MID), jnp.float32),
    )(x, w1)


def _run_fc1(x, w1):
    acc = None
    for widx in range(3):
        part = _pallas_dot_win(x, w1, widx)
        acc = part if acc is None else acc + part
    tail = _pallas_dot(jax.lax.slice(x, (0, 3 * KWIN), (N, IN_CH)),
                       jax.lax.slice(w1, (0, 3 * KWIN), (MID, IN_CH)))
    return acc + tail


def _head_body(z1_ref, b1_ref, w2_ref, b2_ref, wc_ref, bc_ref,
               wr_ref, br_ref, prop_ref,
               masked8_ref, poolv_ref, pooli_ref,
               x1_ref, y1_ref, x2_ref, y2_ref):
    if True:
        h1 = jnp.maximum(z1_ref[...] + b1_ref[...], 0.0)
        h2 = jnp.maximum(
            jax.lax.dot_general(h1, w2_ref[...], _NT,
                                preferred_element_type=jnp.float32)
            + b2_ref[...], 0.0)
        logits = jax.lax.dot_general(
            h2, wc_ref[...], _NT,
            preferred_element_type=jnp.float32) + bc_ref[...]
        m = jnp.max(logits, axis=-1, keepdims=True)
        e = jnp.exp(logits - m)
        probs = e / jnp.sum(e, axis=-1, keepdims=True)
        col = jax.lax.broadcasted_iota(jnp.int32, (N, CPAD), 1)
        real = (col >= 1) & (col < C)
        masked = jnp.where(
            real, jnp.where(probs > SCORE_THRESH, probs, -1.0), -2.0)
        masked8_ref[...] = masked[:8, :]

        row = jax.lax.broadcasted_iota(jnp.int32, (N, CPAD), 0)
        flat = row * CPAD + col
        cur = masked
        pv = []
        pi = []
        for _ in range(NPOOL):
            m = jnp.max(cur, axis=1, keepdims=True)
            am = jnp.min(jnp.where(cur == m, col, CPAD),
                         axis=1, keepdims=True)
            pv.append(m)
            pi.append(am)
            cur = jnp.where(col == am, -3.0, cur)
        lanep = jax.lax.broadcasted_iota(jnp.int32, (N, LPOOL), 1)
        poolv = jnp.concatenate(
            pv + [jnp.full((N, 1), -3.0, jnp.float32)] * (LPOOL - NPOOL),
            axis=1)
        pooli = jnp.concatenate(
            pi + [jnp.zeros((N, 1), jnp.int32)] * (LPOOL - NPOOL), axis=1)
        rowp = jax.lax.broadcasted_iota(jnp.int32, (N, LPOOL), 0)
        poolv_ref[...] = poolv
        pooli_ref[...] = rowp * CPAD + pooli
        del lanep

        d = jax.lax.dot_general(
            h2, wr_ref[...], _NT,
            preferred_element_type=jnp.float32) + br_ref[...]
        dx = d[:, 0:CPAD] / 10.0
        dy = d[:, CPAD:2 * CPAD] / 10.0
        dw = jnp.minimum(d[:, 2 * CPAD:3 * CPAD] / 5.0, 4.135)
        dh = jnp.minimum(d[:, 3 * CPAD:4 * CPAD] / 5.0, 4.135)

        p = prop_ref[...]
        w = p[:, 2:3] - p[:, 0:1]
        h = p[:, 3:4] - p[:, 1:2]
        cx = p[:, 0:1] + 0.5 * w
        cy = p[:, 1:2] + 0.5 * h
        pcx = dx * w + cx
        pcy = dy * h + cy
        pw = jnp.exp(dw) * w
        ph = jnp.exp(dh) * h
        x1_ref[...] = jnp.clip(pcx - 0.5 * pw, 0.0, IMG_W)
        y1_ref[...] = jnp.clip(pcy - 0.5 * ph, 0.0, IMG_H)
        x2_ref[...] = jnp.clip(pcx + 0.5 * pw, 0.0, IMG_W)
        y2_ref[...] = jnp.clip(pcy + 0.5 * ph, 0.0, IMG_H)


def _run_head(z1, prop, b1, w2, b2, wc, bc, wr, br):
    out_sds = jax.ShapeDtypeStruct((N, CPAD), jnp.float32)
    return pl.pallas_call(
        _head_body,
        out_specs=([pl.BlockSpec((8, CPAD), lambda: (0, 0)),
                    pl.BlockSpec((N, LPOOL), lambda: (0, 0)),
                    pl.BlockSpec((N, LPOOL), lambda: (0, 0))] +
                   [pl.BlockSpec((N, CPAD), lambda: (0, 0))] * 4),
        out_shape=([jax.ShapeDtypeStruct((8, CPAD), jnp.float32),
                    jax.ShapeDtypeStruct((N, LPOOL), jnp.float32),
                    jax.ShapeDtypeStruct((N, LPOOL), jnp.int32)] +
                   [out_sds] * 4),
    )(z1, b1, w2, b2, wc, bc, wr, br, prop)


_SC_INFO = plsc.get_sparse_core_info()
_SC_NW = _SC_INFO.num_cores * _SC_INFO.num_subcores
_SC_L = _SC_INFO.num_lanes
_SC_B = NBOX // _SC_NW


@functools.partial(
    pl.kernel,
    mesh=plsc.VectorSubcoreMesh(core_axis_name="c", subcore_axis_name="s"),
    out_type=jax.ShapeDtypeStruct((4, NBOX), jnp.float32),
    scratch_types=[
        pltpu.VMEM((_SC_B,), jnp.int32),
        pltpu.VMEM((_SC_B,), jnp.int32),
        pltpu.VMEM((_SC_B,), jnp.float32),
        pltpu.SemaphoreType.DMA,
    ],
)
def _sc_gather_boxes(table_hbm, idx_hbm, out_hbm, idx_v, idx4_v, rows_v, sem):
    wid = lax.axis_index("s") * _SC_INFO.num_cores + lax.axis_index("c")
    base = wid * _SC_B
    pltpu.sync_copy(idx_hbm.at[pl.ds(base, _SC_B)], idx_v)
    for k in range(4):
        for j in range(_SC_B // _SC_L):
            sl = pl.ds(j * _SC_L, _SC_L)
            idx4_v[sl] = idx_v[sl] + k * (N * CPAD)
        pltpu.async_copy(table_hbm.at[idx4_v], rows_v, sem).wait()
        pltpu.sync_copy(rows_v, out_hbm.at[k, pl.ds(base, _SC_B)])


def _nms_body(b_ref, bt_ref, keep_ref, s_ref):
    area_b = ((bt_ref[2:3, :] - bt_ref[0:1, :]) *
              (bt_ref[3:4, :] - bt_ref[1:2, :]))
    colid = jax.lax.broadcasted_iota(jnp.int32, (BN, NBOX), 1)
    for t in range(NBOX // BN):
        a = b_ref[t * BN:(t + 1) * BN, :]
        ax1 = a[:, 0:1]
        ay1 = a[:, 1:2]
        ax2 = a[:, 2:3]
        ay2 = a[:, 3:4]
        area_a = (ax2 - ax1) * (ay2 - ay1)
        iw = jnp.maximum(jnp.minimum(ax2, bt_ref[2:3, :]) -
                         jnp.maximum(ax1, bt_ref[0:1, :]), 0.0)
        ih = jnp.maximum(jnp.minimum(ay2, bt_ref[3:4, :]) -
                         jnp.maximum(ay1, bt_ref[1:2, :]), 0.0)
        inter = iw * ih
        iou = inter / jnp.maximum(area_a + area_b - inter, 1e-6)
        rowid = t * BN + jax.lax.broadcasted_iota(jnp.int32, (BN, NBOX), 0)
        s_ref[t * BN:(t + 1) * BN, :] = jnp.where(
            (iou > NMS_THRESH) & (colid > rowid), 1.0, 0.0)

    lane = jax.lax.broadcasted_iota(jnp.int32, (1, NBOX), 1)

    def body(i, keep):
        row = s_ref[pl.ds(i, 1), :]
        keep_i = jnp.sum(jnp.where(lane == i, keep, 0.0),
                         axis=1, keepdims=True)
        return keep * (1.0 - row * keep_i)

    keep = jax.lax.fori_loop(0, N, body, jnp.ones((1, NBOX), jnp.float32))
    keep_ref[...] = jnp.broadcast_to(keep, (8, NBOX))


def _run_nms(nms_boxes, nms_boxes_t):
    return pl.pallas_call(
        _nms_body,
        out_shape=jax.ShapeDtypeStruct((8, NBOX), jnp.float32),
        scratch_shapes=[pltpu.VMEM((NBOX, NBOX), jnp.float32)],
    )(nms_boxes, nms_boxes_t)


def kernel(roi_feats, proposals, W1, b1, W2, b2, Wc, bc, Wr, br):
    x = roi_feats.reshape(N, IN_CH)

    wc_p = jnp.pad(Wc, ((0, CPAD - C), (0, 0)))
    bc_p = jnp.pad(bc, (0, CPAD - C),
                   constant_values=-1e30)[None, :]
    wr_p = jnp.pad(Wr.reshape(C, 4, MID),
                   ((0, CPAD - C), (0, 0), (0, 0)))
    wr_p = wr_p.transpose(1, 0, 2).reshape(4 * CPAD, MID)
    br_p = jnp.pad(br.reshape(C, 4), ((0, CPAD - C), (0, 0)))
    br_p = br_p.T.reshape(1, 4 * CPAD)
    b1_p = b1[None, :]
    b2_p = b2[None, :]

    z1 = _run_fc1(x, W1)
    masked8, poolv, pooli, bx1, by1, bx2, by2 = _run_head(
        z1, proposals, b1_p, W2, b2_p, wc_p, bc_p, wr_p, br_p)

    top_s, top_p = jax.lax.top_k(poolv.reshape(-1), PRE_NMS)
    top_idx = pooli.reshape(-1)[top_p]
    cand_valid = top_s > 0.0

    m01 = masked8[:2, :].reshape(-1)
    fkey = jnp.where(m01 == -1.0,
                     jnp.arange(256, dtype=jnp.int32), jnp.int32(1 << 20))
    fills = jax.lax.sort(fkey)[:128]
    nvalid = jnp.sum(cand_valid.astype(jnp.int32))
    frank = jnp.clip(jnp.arange(PRE_NMS, dtype=jnp.int32) - nvalid, 0, 127)
    top_idx = jnp.where(cand_valid, top_idx, fills[frank])

    cand_labels = top_idx % CPAD
    table = jnp.concatenate([bx1.reshape(-1), by1.reshape(-1),
                             bx2.reshape(-1), by2.reshape(-1)])
    idx_p = jnp.pad(top_idx, (0, NBOX - PRE_NMS)).astype(jnp.int32)
    out4 = _sc_gather_boxes(table, idx_p)
    cand_boxes = out4[:, :PRE_NMS].T

    off = cand_labels.astype(jnp.float32) * 2000.0
    nms_boxes = cand_boxes + off[:, None]
    pad_off = (-1e5 - 300.0 * jnp.arange(NBOX - N, dtype=jnp.float32))[:, None]
    pad_boxes = jnp.concatenate(
        [pad_off, pad_off, pad_off + 1.0, pad_off + 1.0], axis=1)
    nms_boxes_p = jnp.concatenate([nms_boxes, pad_boxes], axis=0)
    keep_f = _run_nms(nms_boxes_p, nms_boxes_p.T)[0, :N]
    keep = (keep_f > 0.5) & cand_valid

    final = jnp.where(keep, top_s, -1.0)
    _, sel = jax.lax.top_k(final, MAX_DET)
    out_boxes = cand_boxes[sel]
    out_scores = top_s[sel] * keep[sel].astype(jnp.float32)
    return jnp.concatenate([out_boxes, out_scores[:, None]], axis=1)

# --- scband reference (transcript-rebuilt; emitter-appended) ---
"""Pipeline reference for scband-mask-rcnn-79336635891759 (READ-ONLY COPY).

The authoritative reference and input builder live on the scoring server;
editing this copy changes nothing except your own understanding.
"""

import jax, jax.numpy as jnp
import numpy as np

N = 1000
C = 91
IN_CH = 256 * 7 * 7
MID = 1024
IMG_H = 800.0
IMG_W = 1066.0
SCORE_THRESH = 0.1
NMS_THRESH = 0.6
MAX_DET = 100
PRE_NMS = 1000


def setup_inputs(seed: int = 0):
    key = jax.random.key(seed)
    ks = jax.random.split(key, 10)
    roi_feats = jax.random.normal(ks[0], (N, 256, 7, 7), dtype=jnp.float32)
    cx = jax.random.uniform(ks[1], (N,), minval=50.0, maxval=IMG_W - 50.0)
    cy = jax.random.uniform(ks[2], (N,), minval=50.0, maxval=IMG_H - 50.0)
    bw = jax.random.uniform(ks[3], (N,), minval=20.0, maxval=300.0)
    bh = jax.random.uniform(ks[4], (N,), minval=20.0, maxval=300.0)
    proposals = jnp.stack([cx - bw / 2, cy - bh / 2, cx + bw / 2, cy + bh / 2], axis=1).astype(jnp.float32)
    W1 = jax.random.normal(ks[5], (MID, IN_CH), dtype=jnp.float32) * 0.01
    b1 = jnp.zeros((MID,), jnp.float32)
    W2 = jax.random.normal(ks[6], (MID, MID), dtype=jnp.float32) * 0.01
    b2 = jnp.zeros((MID,), jnp.float32)
    Wc = jax.random.normal(ks[7], (C, MID), dtype=jnp.float32) * 0.2
    bc = jnp.zeros((C,), jnp.float32)
    Wr = jax.random.normal(ks[8], (C * 4, MID), dtype=jnp.float32) * 0.02
    br = jnp.zeros((C * 4,), jnp.float32)
    return {"roi_feats": roi_feats, "proposals": proposals, "W1": W1, "b1": b1, "W2": W2, "b2": b2, "Wc": Wc, "bc": bc, "Wr": Wr, "br": br}


def _decode(deltas, boxes):
    w = boxes[:, 2] - boxes[:, 0]
    h = boxes[:, 3] - boxes[:, 1]
    cx = boxes[:, 0] + 0.5 * w
    cy = boxes[:, 1] + 0.5 * h
    dx = deltas[..., 0] / 10.0
    dy = deltas[..., 1] / 10.0
    dw = jnp.minimum(deltas[..., 2] / 5.0, 4.135)
    dh = jnp.minimum(deltas[..., 3] / 5.0, 4.135)
    pcx = dx * w[:, None] + cx[:, None]
    pcy = dy * h[:, None] + cy[:, None]
    pw = jnp.exp(dw) * w[:, None]
    ph = jnp.exp(dh) * h[:, None]
    x1 = jnp.clip(pcx - 0.5 * pw, 0.0, IMG_W)
    y1 = jnp.clip(pcy - 0.5 * ph, 0.0, IMG_H)
    x2 = jnp.clip(pcx + 0.5 * pw, 0.0, IMG_W)
    y2 = jnp.clip(pcy + 0.5 * ph, 0.0, IMG_H)
    return jnp.stack([x1, y1, x2, y2], axis=-1)


def _box_iou(a, b):
    area_a = (a[:, 2] - a[:, 0]) * (a[:, 3] - a[:, 1])
    area_b = (b[:, 2] - b[:, 0]) * (b[:, 3] - b[:, 1])
    lt = jnp.maximum(a[:, None, :2], b[None, :, :2])
    rb = jnp.minimum(a[:, None, 2:], b[None, :, 2:])
    wh = jnp.maximum(rb - lt, 0.0)
    inter = wh[..., 0] * wh[..., 1]
    return inter / jnp.maximum(area_a[:, None] + area_b[None, :] - inter, 1e-6)


def _nms_keep(boxes, thresh):
    M = boxes.shape[0]
    iou = _box_iou(boxes, boxes)
    idx = jnp.arange(M)

    def body(keep, i):
        sup = (iou[i] > thresh) & keep[i] & (idx > i)
        return keep & (~sup), None

    keep, _ = jax.lax.scan(body, jnp.ones((M,), dtype=bool), idx)
    return keep


def _forward(roi_feats, proposals, W1, b1, W2, b2, Wc, bc, Wr, br):
    # FastRCNNPredictor: flatten -> fc1 -> relu -> fc2 -> relu -> cls/reg heads
    x = roi_feats.reshape(roi_feats.shape[0], -1)
    x = jax.nn.relu(x @ W1.T + b1)
    x = jax.nn.relu(x @ W2.T + b2)
    logits = x @ Wc.T + bc
    deltas = (x @ Wr.T + br).reshape(-1, C, 4)
    probs = jax.nn.softmax(logits, axis=-1)
    boxes = _decode(deltas, proposals)  # [N, C, 4]
    # drop background class 0
    probs = probs[:, 1:]
    boxes = boxes[:, 1:, :]
    scores_flat = probs.reshape(-1)
    boxes_flat = boxes.reshape(-1, 4)
    labels = jnp.tile(jnp.arange(1, C), probs.shape[0])
    masked = jnp.where(scores_flat > SCORE_THRESH, scores_flat, -1.0)
    top_s, top_idx = jax.lax.top_k(jax.lax.stop_gradient(masked), PRE_NMS)
    cand_boxes = boxes_flat[top_idx]
    cand_scores = scores_flat[top_idx]
    cand_labels = labels[top_idx]
    cand_valid = top_s > 0.0
    # batched NMS: offset boxes per class so different classes never overlap
    nms_boxes = jax.lax.stop_gradient(cand_boxes) + (cand_labels.astype(jnp.float32) * 2000.0)[:, None]
    keep = _nms_keep(nms_boxes, NMS_THRESH) & cand_valid
    final = jnp.where(keep, top_s, -1.0)
    _, sel = jax.lax.top_k(final, MAX_DET)
    out_boxes = cand_boxes[sel]
    out_scores = cand_scores[sel] * keep[sel].astype(jnp.float32)
    return jnp.concatenate([out_boxes, out_scores[:, None]], axis=1)  # [100, 5]


def reference(roi_feats, proposals, W1, b1, W2, b2, Wc, bc, Wr, br):
    return _forward(roi_feats, proposals, W1, b1, W2, b2, Wc, bc, Wr, br)

if __name__ == "__main__":
    import jax
    _d = setup_inputs()
    print(jax.jit(kernel)(*tuple(_d.values())))

</pallas_src>

<mosaic_0001>
#map = affine_map<(d0, d1) -> (0)>
#map1 = affine_map<(d0, d1) -> (0, 0)>
module attributes {stable_mosaic.version = 14 : i64} {
  func.func @_sc_gather_boxes(%arg0: i32, %arg1: i32, %arg2: memref<512000xf32, #tpu.memory_space<hbm>>, %arg3: memref<1024xi32, #tpu.memory_space<hbm>>, %arg4: memref<4x1024xf32, #tpu.memory_space<hbm>>, %arg5: memref<32xi32, #tpu.memory_space<vmem>>, %arg6: memref<32xi32, #tpu.memory_space<vmem>>, %arg7: memref<32xf32, #tpu.memory_space<vmem>>, %arg8: memref<!tpu.dma_semaphore, #tpu.memory_space<semaphore_mem>>) attributes {dimension_semantics = [#tpu.dimension_semantics<core_parallel>, #tpu.dimension_semantics<subcore_parallel>], iteration_bounds = array<i64: 2, 16>, scalar_prefetch = 0 : i64, scratch_operands = 4 : i64, tpu.core_type = #tpu.core_type<sc_vector_subcore>, window_params = [{transform_indices = #map}, {transform_indices = #map}, {transform_indices = #map1}]} {
    %mul3A = arith.constant 2 : i32
    %mul3A_0 = arith.muli %arg1, %mul3A : i32
    %add3A = arith.addi %mul3A_0, %arg0 : i32
    %mul3A_1 = arith.constant 32 : i32
    %mul3A_2 = arith.muli %add3A, %mul3A_1 : i32
    "tpu.region"() ({
      %run_scoped3A_98 = tpu.sem_alloc : memref<!tpu.dma_semaphore, #tpu.memory_space<semaphore_mem>>
      %dma_start3A_99 = tpu.memref_slice %arg3[%mul3A_2] : memref<1024xi32, #tpu.memory_space<hbm>> -> memref<32xi32, #tpu.memory_space<hbm>>
      %dma_start3A_100 = tpu.memref_slice %arg3[%mul3A_2] : memref<1024xi32, #tpu.memory_space<hbm>> -> memref<32xi32, #tpu.memory_space<hbm>>
      tpu.enqueue_dma source(%dma_start3A_100 : memref<32xi32, #tpu.memory_space<hbm>>) target(%arg5 : memref<32xi32, #tpu.memory_space<vmem>>) target_semaphore(%run_scoped3A_98 : memref<!tpu.dma_semaphore, #tpu.memory_space<semaphore_mem>>)
      %dma_wait3A_101 = tpu.memref_slice %arg3[%mul3A_2] : memref<1024xi32, #tpu.memory_space<hbm>> -> memref<32xi32, #tpu.memory_space<hbm>>
      %dma_wait3A_102 = tpu.memref_slice %arg3[%mul3A_2] : memref<1024xi32, #tpu.memory_space<hbm>> -> memref<32xi32, #tpu.memory_space<hbm>>
      tpu.wait_dma2 semaphore(%run_scoped3A_98 : memref<!tpu.dma_semaphore, #tpu.memory_space<semaphore_mem>>) src(%dma_wait3A_102 : memref<32xi32, #tpu.memory_space<hbm>>) dst(%arg5 : memref<32xi32, #tpu.memory_space<vmem>>)
      tpu.yield
    }) : () -> ()
    %get3A = arith.constant 0 : index
    %get3A_3 = tpu.vector_load %arg5[%get3A] {strides = array<i32>} : memref<32xi32, #tpu.memory_space<vmem>>, vector<16xi32>,
    %get3A_4 = vector.shape_cast %get3A_3 : vector<16xi32> to vector<16xi32>
    %add3A_5 = arith.constant 0 : i32
    %add3A_6 = vector.broadcast %add3A_5 : i32 to vector<16xi32>
    %add3A_7 = arith.addi %get3A_4, %add3A_6 : vector<16xi32>
    %swap3A = arith.constant 0 : index
    %swap3A_8 = tpu.vector_load %arg6[%swap3A] {strides = array<i32>} : memref<32xi32, #tpu.memory_space<vmem>>, vector<16xi32>,
    %swap3A_9 = vector.shape_cast %swap3A_8 : vector<16xi32> to vector<16xi32>
    %swap3A_10 = vector.shape_cast %add3A_7 : vector<16xi32> to vector<16xi32>
    tpu.vector_store %arg6[%swap3A], %swap3A_10 {strides = array<i32>} : memref<32xi32, #tpu.memory_space<vmem>>, vector<16xi32>,
    %get3A_11 = arith.constant 16 : index
    %get3A_12 = tpu.vector_load %arg5[%get3A_11] {strides = array<i32>} : memref<32xi32, #tpu.memory_space<vmem>>, vector<16xi32>,
    %get3A_13 = vector.shape_cast %get3A_12 : vector<16xi32> to vector<16xi32>
    %add3A_14 = arith.constant 0 : i32
    %add3A_15 = vector.broadcast %add3A_14 : i32 to vector<16xi32>
    %add3A_16 = arith.addi %get3A_13, %add3A_15 : vector<16xi32>
    %swap3A_17 = arith.constant 16 : index
    %swap3A_18 = tpu.vector_load %arg6[%swap3A_17] {strides = array<i32>} : memref<32xi32, #tpu.memory_space<vmem>>, vector<16xi32>,
    %swap3A_19 = vector.shape_cast %swap3A_18 : vector<16xi32> to vector<16xi32>
    %swap3A_20 = vector.shape_cast %add3A_16 : vector<16xi32> to vector<16xi32>
    tpu.vector_store %arg6[%swap3A_17], %swap3A_20 {strides = array<i32>} : memref<32xi32, #tpu.memory_space<vmem>>, vector<16xi32>,
    %dma_start3A = arith.constant 0 : i32
    %dma_start3A_21 = tpu.memref_slice %arg2[%dma_start3A] : memref<512000xf32, #tpu.memory_space<hbm>> -> memref<512000xf32, #tpu.memory_space<hbm>>
    tpu.enqueue_indirect_dma source(%dma_start3A_21 : memref<512000xf32, #tpu.memory_space<hbm>>) target(%arg7 : memref<32xf32, #tpu.memory_space<vmem>>) offsets(%arg6 : memref<32xi32, #tpu.memory_space<vmem>>) semaphore(%arg8 : memref<!tpu.dma_semaphore, #tpu.memory_space<semaphore_mem>>)
    %dma_wait3A = arith.constant 0 : i32
    %dma_wait3A_22 = tpu.memref_slice %arg2[%dma_wait3A] : memref<512000xf32, #tpu.memory_space<hbm>> -> memref<512000xf32, #tpu.memory_space<hbm>>
    tpu.wait_indirect_dma semaphore(%arg8 : memref<!tpu.dma_semaphore, #tpu.memory_space<semaphore_mem>>) src(%dma_wait3A_22 : memref<512000xf32, #tpu.memory_space<hbm>>) dst(%arg7 : memref<32xf32, #tpu.memory_space<vmem>>)
    %run_scoped3A = arith.constant 0 : i32
    "tpu.region"() ({
      %run_scoped3A_98 = tpu.sem_alloc : memref<!tpu.dma_semaphore, #tpu.memory_space<semaphore_mem>>
      %dma_start3A_99 = tpu.memref_slice %arg4[%run_scoped3A, %mul3A_2] : memref<4x1024xf32, #tpu.memory_space<hbm>> -> memref<1x32xf32, #tpu.memory_space<hbm>>
      %dma_start3A_100 = tpu.memref_squeeze %dma_start3A_99 : memref<1x32xf32, #tpu.memory_space<hbm>> -> memref<32xf32, #tpu.memory_space<hbm>>
      %dma_start3A_101 = tpu.memref_slice %arg4[%run_scoped3A, %mul3A_2] : memref<4x1024xf32, #tpu.memory_space<hbm>> -> memref<1x32xf32, #tpu.memory_space<hbm>>
      %dma_start3A_102 = tpu.memref_squeeze %dma_start3A_101 : memref<1x32xf32, #tpu.memory_space<hbm>> -> memref<32xf32, #tpu.memory_space<hbm>>
      tpu.enqueue_dma source(%arg7 : memref<32xf32, #tpu.memory_space<vmem>>) target(%dma_start3A_102 : memref<32xf32, #tpu.memory_space<hbm>>) target_semaphore(%run_scoped3A_98 : memref<!tpu.dma_semaphore, #tpu.memory_space<semaphore_mem>>)
      %dma_wait3A_103 = tpu.memref_slice %arg4[%run_scoped3A, %mul3A_2] : memref<4x1024xf32, #tpu.memory_space<hbm>> -> memref<1x32xf32, #tpu.memory_space<hbm>>
      %dma_wait3A_104 = tpu.memref_squeeze %dma_wait3A_103 : memref<1x32xf32, #tpu.memory_space<hbm>> -> memref<32xf32, #tpu.memory_space<hbm>>
      %dma_wait3A_105 = tpu.memref_slice %arg4[%run_scoped3A, %mul3A_2] : memref<4x1024xf32, #tpu.memory_space<hbm>> -> memref<1x32xf32, #tpu.memory_space<hbm>>
      %dma_wait3A_106 = tpu.memref_squeeze %dma_wait3A_105 : memref<1x32xf32, #tpu.memory_space<hbm>> -> memref<32xf32, #tpu.memory_space<hbm>>
      tpu.wait_dma2 semaphore(%run_scoped3A_98 : memref<!tpu.dma_semaphore, #tpu.memory_space<semaphore_mem>>) src(%arg7 : memref<32xf32, #tpu.memory_space<vmem>>) dst(%dma_wait3A_106 : memref<32xf32, #tpu.memory_space<hbm>>)
      tpu.yield
    }) : () -> ()
    %get3A_23 = arith.constant 0 : index
    %get3A_24 = tpu.vector_load %arg5[%get3A_23] {strides = array<i32>} : memref<32xi32, #tpu.memory_space<vmem>>, vector<16xi32>,
    %get3A_25 = vector.shape_cast %get3A_24 : vector<16xi32> to vector<16xi32>
    %add3A_26 = arith.constant 128000 : i32
    %add3A_27 = vector.broadcast %add3A_26 : i32 to vector<16xi32>
    %add3A_28 = arith.addi %get3A_25, %add3A_27 : vector<16xi32>
    %swap3A_29 = arith.constant 0 : index
    %swap3A_30 = tpu.vector_load %arg6[%swap3A_29] {strides = array<i32>} : memref<32xi32, #tpu.memory_space<vmem>>, vector<16xi32>,
    %swap3A_31 = vector.shape_cast %swap3A_30 : vector<16xi32> to vector<16xi32>
    %swap3A_32 = vector.shape_cast %add3A_28 : vector<16xi32> to vector<16xi32>
    tpu.vector_store %arg6[%swap3A_29], %swap3A_32 {strides = array<i32>} : memref<32xi32, #tpu.memory_space<vmem>>, vector<16xi32>,
    %get3A_33 = arith.constant 16 : index
    %get3A_34 = tpu.vector_load %arg5[%get3A_33] {strides = array<i32>} : memref<32xi32, #tpu.memory_space<vmem>>, vector<16xi32>,
    %get3A_35 = vector.shape_cast %get3A_34 : vector<16xi32> to vector<16xi32>
    %add3A_36 = arith.constant 128000 : i32
    %add3A_37 = vector.broadcast %add3A_36 : i32 to vector<16xi32>
    %add3A_38 = arith.addi %get3A_35, %add3A_37 : vector<16xi32>
    %swap3A_39 = arith.constant 16 : index
    %swap3A_40 = tpu.vector_load %arg6[%swap3A_39] {strides = array<i32>} : memref<32xi32, #tpu.memory_space<vmem>>, vector<16xi32>,
    %swap3A_41 = vector.shape_cast %swap3A_40 : vector<16xi32> to vector<16xi32>
    %swap3A_42 = vector.shape_cast %add3A_38 : vector<16xi32> to vector<16xi32>
    tpu.vector_store %arg6[%swap3A_39], %swap3A_42 {strides = array<i32>} : memref<32xi32, #tpu.memory_space<vmem>>, vector<16xi32>,
    %dma_start3A_43 = arith.constant 0 : i32
    %dma_start3A_44 = tpu.memref_slice %arg2[%dma_start3A_43] : memref<512000xf32, #tpu.memory_space<hbm>> -> memref<512000xf32, #tpu.memory_space<hbm>>
    tpu.enqueue_indirect_dma source(%dma_start3A_44 : memref<512000xf32, #tpu.memory_space<hbm>>) target(%arg7 : memref<32xf32, #tpu.memory_space<vmem>>) offsets(%arg6 : memref<32xi32, #tpu.memory_space<vmem>>) semaphore(%arg8 : memref<!tpu.dma_semaphore, #tpu.memory_space<semaphore_mem>>)
    %dma_wait3A_45 = arith.constant 0 : i32
    %dma_wait3A_46 = tpu.memref_slice %arg2[%dma_wait3A_45] : memref<512000xf32, #tpu.memory_space<hbm>> -> memref<512000xf32, #tpu.memory_space<hbm>>
    tpu.wait_indirect_dma semaphore(%arg8 : memref<!tpu.dma_semaphore, #tpu.memory_space<semaphore_mem>>) src(%dma_wait3A_46 : memref<512000xf32, #tpu.memory_space<hbm>>) dst(%arg7 : memref<32xf32, #tpu.memory_space<vmem>>)
    %run_scoped3A_47 = arith.constant 1 : i32
    "tpu.region"() ({
      %run_scoped3A_98 = tpu.sem_alloc : memref<!tpu.dma_semaphore, #tpu.memory_space<semaphore_mem>>
      %dma_start3A_99 = tpu.memref_slice %arg4[%run_scoped3A_47, %mul3A_2] : memref<4x1024xf32, #tpu.memory_space<hbm>> -> memref<1x32xf32, #tpu.memory_space<hbm>>
      %dma_start3A_100 = tpu.memref_squeeze %dma_start3A_99 : memref<1x32xf32, #tpu.memory_space<hbm>> -> memref<32xf32, #tpu.memory_space<hbm>>
      %dma_start3A_101 = tpu.memref_slice %arg4[%run_scoped3A_47, %mul3A_2] : memref<4x1024xf32, #tpu.memory_space<hbm>> -> memref<1x32xf32, #tpu.memory_space<hbm>>
      %dma_start3A_102 = tpu.memref_squeeze %dma_start3A_101 : memref<1x32xf32, #tpu.memory_space<hbm>> -> memref<32xf32, #tpu.memory_space<hbm>>
      tpu.enqueue_dma source(%arg7 : memref<32xf32, #tpu.memory_space<vmem>>) target(%dma_start3A_102 : memref<32xf32, #tpu.memory_space<hbm>>) target_semaphore(%run_scoped3A_98 : memref<!tpu.dma_semaphore, #tpu.memory_space<semaphore_mem>>)
      %dma_wait3A_103 = tpu.memref_slice %arg4[%run_scoped3A_47, %mul3A_2] : memref<4x1024xf32, #tpu.memory_space<hbm>> -> memref<1x32xf32, #tpu.memory_space<hbm>>
      %dma_wait3A_104 = tpu.memref_squeeze %dma_wait3A_103 : memref<1x32xf32, #tpu.memory_space<hbm>> -> memref<32xf32, #tpu.memory_space<hbm>>
      %dma_wait3A_105 = tpu.memref_slice %arg4[%run_scoped3A_47, %mul3A_2] : memref<4x1024xf32, #tpu.memory_space<hbm>> -> memref<1x32xf32, #tpu.memory_space<hbm>>
      %dma_wait3A_106 = tpu.memref_squeeze %dma_wait3A_105 : memref<1x32xf32, #tpu.memory_space<hbm>> -> memref<32xf32, #tpu.memory_space<hbm>>
      tpu.wait_dma2 semaphore(%run_scoped3A_98 : memref<!tpu.dma_semaphore, #tpu.memory_space<semaphore_mem>>) src(%arg7 : memref<32xf32, #tpu.memory_space<vmem>>) dst(%dma_wait3A_106 : memref<32xf32, #tpu.memory_space<hbm>>)
      tpu.yield
    }) : () -> ()
    %get3A_48 = arith.constant 0 : index
    %get3A_49 = tpu.vector_load %arg5[%get3A_48] {strides = array<i32>} : memref<32xi32, #tpu.memory_space<vmem>>, vector<16xi32>,
    %get3A_50 = vector.shape_cast %get3A_49 : vector<16xi32> to vector<16xi32>
    %add3A_51 = arith.constant 256000 : i32
    %add3A_52 = vector.broadcast %add3A_51 : i32 to vector<16xi32>
    %add3A_53 = arith.addi %get3A_50, %add3A_52 : vector<16xi32>
    %swap3A_54 = arith.constant 0 : index
    %swap3A_55 = tpu.vector_load %arg6[%swap3A_54] {strides = array<i32>} : memref<32xi32, #tpu.memory_space<vmem>>, vector<16xi32>,
    %swap3A_56 = vector.shape_cast %swap3A_55 : vector<16xi32> to vector<16xi32>
    %swap3A_57 = vector.shape_cast %add3A_53 : vector<16xi32> to vector<16xi32>
    tpu.vector_store %arg6[%swap3A_54], %swap3A_57 {strides = array<i32>} : memref<32xi32, #tpu.memory_space<vmem>>, vector<16xi32>,
    %get3A_58 = arith.constant 16 : index
    %get3A_59 = tpu.vector_load %arg5[%get3A_58] {strides = array<i32>} : memref<32xi32, #tpu.memory_space<vmem>>, vector<16xi32>,
    %get3A_60 = vector.shape_cast %get3A_59 : vector<16xi32> to vector<16xi32>
    %add3A_61 = arith.constant 256000 : i32
    %add3A_62 = vector.broadcast %add3A_61 : i32 to vector<16xi32>
    %add3A_63 = arith.addi %get3A_60, %add3A_62 : vector<16xi32>
    %swap3A_64 = arith.constant 16 : index
    %swap3A_65 = tpu.vector_load %arg6[%swap3A_64] {strides = array<i32>} : memref<32xi32, #tpu.memory_space<vmem>>, vector<16xi32>,
    %swap3A_66 = vector.shape_cast %swap3A_65 : vector<16xi32> to vector<16xi32>
    %swap3A_67 = vector.shape_cast %add3A_63 : vector<16xi32> to vector<16xi32>
    tpu.vector_store %arg6[%swap3A_64], %swap3A_67 {strides = array<i32>} : memref<32xi32, #tpu.memory_space<vmem>>, vector<16xi32>,
    %dma_start3A_68 = arith.constant 0 : i32
    %dma_start3A_69 = tpu.memref_slice %arg2[%dma_start3A_68] : memref<512000xf32, #tpu.memory_space<hbm>> -> memref<512000xf32, #tpu.memory_space<hbm>>
    tpu.enqueue_indirect_dma source(%dma_start3A_69 : memref<512000xf32, #tpu.memory_space<hbm>>) target(%arg7 : memref<32xf32, #tpu.memory_space<vmem>>) offsets(%arg6 : memref<32xi32, #tpu.memory_space<vmem>>) semaphore(%arg8 : memref<!tpu.dma_semaphore, #tpu.memory_space<semaphore_mem>>)
    %dma_wait3A_70 = arith.constant 0 : i32
    %dma_wait3A_71 = tpu.memref_slice %arg2[%dma_wait3A_70] : memref<512000xf32, #tpu.memory_space<hbm>> -> memref<512000xf32, #tpu.memory_space<hbm>>
    tpu.wait_indirect_dma semaphore(%arg8 : memref<!tpu.dma_semaphore, #tpu.memory_space<semaphore_mem>>) src(%dma_wait3A_71 : memref<512000xf32, #tpu.memory_space<hbm>>) dst(%arg7 : memref<32xf32, #tpu.memory_space<vmem>>)
    %run_scoped3A_72 = arith.constant 2 : i32
    "tpu.region"() ({
      %run_scoped3A_98 = tpu.sem_alloc : memref<!tpu.dma_semaphore, #tpu.memory_space<semaphore_mem>>
      %dma_start3A_99 = tpu.memref_slice %arg4[%run_scoped3A_72, %mul3A_2] : memref<4x1024xf32, #tpu.memory_space<hbm>> -> memref<1x32xf32, #tpu.memory_space<hbm>>
      %dma_start3A_100 = tpu.memref_squeeze %dma_start3A_99 : memref<1x32xf32, #tpu.memory_space<hbm>> -> memref<32xf32, #tpu.memory_space<hbm>>
      %dma_start3A_101 = tpu.memref_slice %arg4[%run_scoped3A_72, %mul3A_2] : memref<4x1024xf32, #tpu.memory_space<hbm>> -> memref<1x32xf32, #tpu.memory_space<hbm>>
      %dma_start3A_102 = tpu.memref_squeeze %dma_start3A_101 : memref<1x32xf32, #tpu.memory_space<hbm>> -> memref<32xf32, #tpu.memory_space<hbm>>
      tpu.enqueue_dma source(%arg7 : memref<32xf32, #tpu.memory_space<vmem>>) target(%dma_start3A_102 : memref<32xf32, #tpu.memory_space<hbm>>) target_semaphore(%run_scoped3A_98 : memref<!tpu.dma_semaphore, #tpu.memory_space<semaphore_mem>>)
      %dma_wait3A_103 = tpu.memref_slice %arg4[%run_scoped3A_72, %mul3A_2] : memref<4x1024xf32, #tpu.memory_space<hbm>> -> memref<1x32xf32, #tpu.memory_space<hbm>>
      %dma_wait3A_104 = tpu.memref_squeeze %dma_wait3A_103 : memref<1x32xf32, #tpu.memory_space<hbm>> -> memref<32xf32, #tpu.memory_space<hbm>>
      %dma_wait3A_105 = tpu.memref_slice %arg4[%run_scoped3A_72, %mul3A_2] : memref<4x1024xf32, #tpu.memory_space<hbm>> -> memref<1x32xf32, #tpu.memory_space<hbm>>
      %dma_wait3A_106 = tpu.memref_squeeze %dma_wait3A_105 : memref<1x32xf32, #tpu.memory_space<hbm>> -> memref<32xf32, #tpu.memory_space<hbm>>
      tpu.wait_dma2 semaphore(%run_scoped3A_98 : memref<!tpu.dma_semaphore, #tpu.memory_space<semaphore_mem>>) src(%arg7 : memref<32xf32, #tpu.memory_space<vmem>>) dst(%dma_wait3A_106 : memref<32xf32, #tpu.memory_space<hbm>>)
      tpu.yield
    }) : () -> ()
    %get3A_73 = arith.constant 0 : index
    %get3A_74 = tpu.vector_load %arg5[%get3A_73] {strides = array<i32>} : memref<32xi32, #tpu.memory_space<vmem>>, vector<16xi32>,
    %get3A_75 = vector.shape_cast %get3A_74 : vector<16xi32> to vector<16xi32>
    %add3A_76 = arith.constant 384000 : i32
    %add3A_77 = vector.broadcast %add3A_76 : i32 to vector<16xi32>
    %add3A_78 = arith.addi %get3A_75, %add3A_77 : vector<16xi32>
    %swap3A_79 = arith.constant 0 : index
    %swap3A_80 = tpu.vector_load %arg6[%swap3A_79] {strides = array<i32>} : memref<32xi32, #tpu.memory_space<vmem>>, vector<16xi32>,
    %swap3A_81 = vector.shape_cast %swap3A_80 : vector<16xi32> to vector<16xi32>
    %swap3A_82 = vector.shape_cast %add3A_78 : vector<16xi32> to vector<16xi32>
    tpu.vector_store %arg6[%swap3A_79], %swap3A_82 {strides = array<i32>} : memref<32xi32, #tpu.memory_space<vmem>>, vector<16xi32>,
    %get3A_83 = arith.constant 16 : index
    %get3A_84 = tpu.vector_load %arg5[%get3A_83] {strides = array<i32>} : memref<32xi32, #tpu.memory_space<vmem>>, vector<16xi32>,
    %get3A_85 = vector.shape_cast %get3A_84 : vector<16xi32> to vector<16xi32>
    %add3A_86 = arith.constant 384000 : i32
    %add3A_87 = vector.broadcast %add3A_86 : i32 to vector<16xi32>
    %add3A_88 = arith.addi %get3A_85, %add3A_87 : vector<16xi32>
    %swap3A_89 = arith.constant 16 : index
    %swap3A_90 = tpu.vector_load %arg6[%swap3A_89] {strides = array<i32>} : memref<32xi32, #tpu.memory_space<vmem>>, vector<16xi32>,
    %swap3A_91 = vector.shape_cast %swap3A_90 : vector<16xi32> to vector<16xi32>
    %swap3A_92 = vector.shape_cast %add3A_88 : vector<16xi32> to vector<16xi32>
    tpu.vector_store %arg6[%swap3A_89], %swap3A_92 {strides = array<i32>} : memref<32xi32, #tpu.memory_space<vmem>>, vector<16xi32>,
    %dma_start3A_93 = arith.constant 0 : i32
    %dma_start3A_94 = tpu.memref_slice %arg2[%dma_start3A_93] : memref<512000xf32, #tpu.memory_space<hbm>> -> memref<512000xf32, #tpu.memory_space<hbm>>
    tpu.enqueue_indirect_dma source(%dma_start3A_94 : memref<512000xf32, #tpu.memory_space<hbm>>) target(%arg7 : memref<32xf32, #tpu.memory_space<vmem>>) offsets(%arg6 : memref<32xi32, #tpu.memory_space<vmem>>) semaphore(%arg8 : memref<!tpu.dma_semaphore, #tpu.memory_space<semaphore_mem>>)
    %dma_wait3A_95 = arith.constant 0 : i32
    %dma_wait3A_96 = tpu.memref_slice %arg2[%dma_wait3A_95] : memref<512000xf32, #tpu.memory_space<hbm>> -> memref<512000xf32, #tpu.memory_space<hbm>>
    tpu.wait_indirect_dma semaphore(%arg8 : memref<!tpu.dma_semaphore, #tpu.memory_space<semaphore_mem>>) src(%dma_wait3A_96 : memref<512000xf32, #tpu.memory_space<hbm>>) dst(%arg7 : memref<32xf32, #tpu.memory_space<vmem>>)
    %run_scoped3A_97 = arith.constant 3 : i32
    "tpu.region"() ({
      %run_scoped3A_98 = tpu.sem_alloc : memref<!tpu.dma_semaphore, #tpu.memory_space<semaphore_mem>>
      %dma_start3A_99 = tpu.memref_slice %arg4[%run_scoped3A_97, %mul3A_2] : memref<4x1024xf32, #tpu.memory_space<hbm>> -> memref<1x32xf32, #tpu.memory_space<hbm>>
      %dma_start3A_100 = tpu.memref_squeeze %dma_start3A_99 : memref<1x32xf32, #tpu.memory_space<hbm>> -> memref<32xf32, #tpu.memory_space<hbm>>
      %dma_start3A_101 = tpu.memref_slice %arg4[%run_scoped3A_97, %mul3A_2] : memref<4x1024xf32, #tpu.memory_space<hbm>> -> memref<1x32xf32, #tpu.memory_space<hbm>>
      %dma_start3A_102 = tpu.memref_squeeze %dma_start3A_101 : memref<1x32xf32, #tpu.memory_space<hbm>> -> memref<32xf32, #tpu.memory_space<hbm>>
      tpu.enqueue_dma source(%arg7 : memref<32xf32, #tpu.memory_space<vmem>>) target(%dma_start3A_102 : memref<32xf32, #tpu.memory_space<hbm>>) target_semaphore(%run_scoped3A_98 : memref<!tpu.dma_semaphore, #tpu.memory_space<semaphore_mem>>)
      %dma_wait3A_103 = tpu.memref_slice %arg4[%run_scoped3A_97, %mul3A_2] : memref<4x1024xf32, #tpu.memory_space<hbm>> -> memref<1x32xf32, #tpu.memory_space<hbm>>
      %dma_wait3A_104 = tpu.memref_squeeze %dma_wait3A_103 : memref<1x32xf32, #tpu.memory_space<hbm>> -> memref<32xf32, #tpu.memory_space<hbm>>
      %dma_wait3A_105 = tpu.memref_slice %arg4[%run_scoped3A_97, %mul3A_2] : memref<4x1024xf32, #tpu.memory_space<hbm>> -> memref<1x32xf32, #tpu.memory_space<hbm>>
      %dma_wait3A_106 = tpu.memref_squeeze %dma_wait3A_105 : memref<1x32xf32, #tpu.memory_space<hbm>> -> memref<32xf32, #tpu.memory_space<hbm>>
      tpu.wait_dma2 semaphore(%run_scoped3A_98 : memref<!tpu.dma_semaphore, #tpu.memory_space<semaphore_mem>>) src(%arg7 : memref<32xf32, #tpu.memory_space<vmem>>) dst(%dma_wait3A_106 : memref<32xf32, #tpu.memory_space<hbm>>)
      tpu.yield
    }) : () -> ()
    return
  }
}

module attributes {stable_mosaic.version = 14 : i64} {
  func.func @_dot_body(%arg0: i32, %arg1: memref<1000x3200xf32, #tpu.memory_space<vmem>>, %arg2: memref<1024x3200xf32, #tpu.memory_space<vmem>>, %arg3: memref<1000x1024xf32, #tpu.memory_space<vmem>>) attributes {dimension_semantics = [#tpu.dimension_semantics<arbitrary>], iteration_bounds = array<i64: 1>, scalar_prefetch = 0 : i64, scratch_operands = 0 : i64, tpu.core_type = #tpu.core_type<tc>, window_params = [{transform_indices = @transform_0, window_bounds = array<i64: 1000, 3200>}, {transform_indices = @transform_1, window_bounds = array<i64: 1024, 3200>}, {pipeline_mode = #tpu.pipeline_mode<synchronous>, transform_indices = @transform_2, window_bounds = array<i64: 1000, 1024>}]} {
    %get3A = arith.constant 0 : index
    %get3A_0 = arith.constant 0 : index
    %get3A_1 = vector.load %arg1[%get3A, %get3A_0] : memref<1000x3200xf32, #tpu.memory_space<vmem>>, vector<1000x3200xf32>
    %get3A_2 = arith.constant 0 : index
    %get3A_3 = arith.constant 0 : index
    %get3A_4 = vector.load %arg2[%get3A_2, %get3A_3] : memref<1024x3200xf32, #tpu.memory_space<vmem>>, vector<1024x3200xf32>
    %dot_general3A = arith.constant dense<0.000000e+00> : vector<1000x1024xf32>
    %dot_general3A_5 = tpu.matmul %get3A_1, %get3A_4, %dot_general3A {dimension_numbers = #tpu.dot_dimension_numbers<[1], [1], [0], [0], [0, 0, 1, 0], [], []>, transpose_lhs_hint = false} : vector<1000x3200xf32>, vector<1024x3200xf32>, vector<1000x1024xf32> -> vector<1000x1024xf32>
    %swap3A = arith.constant 0 : index
    %swap3A_6 = arith.constant 0 : index
    %swap3A_7 = vector.load %arg3[%swap3A, %swap3A_6] : memref<1000x1024xf32, #tpu.memory_space<vmem>>, vector<1000x1024xf32>
    tpu.vector_store %arg3[%swap3A, %swap3A_6], %dot_general3A_5 {strides = array<i32>} : memref<1000x1024xf32, #tpu.memory_space<vmem>>, vector<1000x1024xf32>,
    return
  }
  func.func @transform_0(%arg0: i32) -> (i32, i32) {
    %c0_i32 = arith.constant 0 : i32
    %c0_i32_0 = arith.constant 0 : i32
    %c0_i32_1 = arith.constant 0 : i32
    return %c0_i32, %c0_i32_0 : i32, i32
  }
  func.func @transform_1(%arg0: i32) -> (i32, i32) {
    %c0_i32 = arith.constant 0 : i32
    %c0_i32_0 = arith.constant 0 : i32
    %c0_i32_1 = arith.constant 0 : i32
    return %c0_i32, %c0_i32_0 : i32, i32
  }
  func.func @transform_2(%arg0: i32) -> (i32, i32) {
    %c0_i32 = arith.constant 0 : i32
    %c0_i32_0 = arith.constant 0 : i32
    %c0_i32_1 = arith.constant 0 : i32
    return %c0_i32, %c0_i32_0 : i32, i32
  }
}

module attributes {stable_mosaic.version = 14 : i64} {
  func.func @_dot_body(%arg0: i32, %arg1: memref<1000x3200xf32, #tpu.memory_space<vmem>>, %arg2: memref<1024x3200xf32, #tpu.memory_space<vmem>>, %arg3: memref<1000x1024xf32, #tpu.memory_space<vmem>>) attributes {dimension_semantics = [#tpu.dimension_semantics<arbitrary>], iteration_bounds = array<i64: 1>, scalar_prefetch = 0 : i64, scratch_operands = 0 : i64, tpu.core_type = #tpu.core_type<tc>, window_params = [{transform_indices = @transform_0, window_bounds = array<i64: 1000, 3200>}, {transform_indices = @transform_1, window_bounds = array<i64: 1024, 3200>}, {pipeline_mode = #tpu.pipeline_mode<synchronous>, transform_indices = @transform_2, window_bounds = array<i64: 1000, 1024>}]} {
    %get3A = arith.constant 0 : index
    %get3A_0 = arith.constant 0 : index
    %get3A_1 = vector.load %arg1[%get3A, %get3A_0] : memref<1000x3200xf32, #tpu.memory_space<vmem>>, vector<1000x3200xf32>
    %get3A_2 = arith.constant 0 : index
    %get3A_3 = arith.constant 0 : index
    %get3A_4 = vector.load %arg2[%get3A_2, %get3A_3] : memref<1024x3200xf32, #tpu.memory_space<vmem>>, vector<1024x3200xf32>
    %dot_general3A = arith.constant dense<0.000000e+00> : vector<1000x1024xf32>
    %dot_general3A_5 = tpu.matmul %get3A_1, %get3A_4, %dot_general3A {dimension_numbers = #tpu.dot_dimension_numbers<[1], [1], [0], [0], [0, 0, 1, 0], [], []>, transpose_lhs_hint = false} : vector<1000x3200xf32>, vector<1024x3200xf32>, vector<1000x1024xf32> -> vector<1000x1024xf32>
    %swap3A = arith.constant 0 : index
    %swap3A_6 = arith.constant 0 : index
    %swap3A_7 = vector.load %arg3[%swap3A, %swap3A_6] : memref<1000x1024xf32, #tpu.memory_space<vmem>>, vector<1000x1024xf32>
    tpu.vector_store %arg3[%swap3A, %swap3A_6], %dot_general3A_5 {strides = array<i32>} : memref<1000x1024xf32, #tpu.memory_space<vmem>>, vector<1000x1024xf32>,
    return
  }
  func.func @transform_0(%arg0: i32) -> (i32, i32) {
    %c0_i32 = arith.constant 0 : i32
    %c1_i32 = arith.constant 1 : i32
    %c0_i32_0 = arith.constant 0 : i32
    return %c0_i32, %c1_i32 : i32, i32
  }
  func.func @transform_1(%arg0: i32) -> (i32, i32) {
    %c0_i32 = arith.constant 0 : i32
    %c1_i32 = arith.constant 1 : i32
    %c0_i32_0 = arith.constant 0 : i32
    return %c0_i32, %c1_i32 : i32, i32
  }
  func.func @transform_2(%arg0: i32) -> (i32, i32) {
    %c0_i32 = arith.constant 0 : i32
    %c0_i32_0 = arith.constant 0 : i32
    %c0_i32_1 = arith.constant 0 : i32
    return %c0_i32, %c0_i32_0 : i32, i32
  }
}

module attributes {stable_mosaic.version = 14 : i64} {
  func.func @_dot_body(%arg0: i32, %arg1: memref<1000x3200xf32, #tpu.memory_space<vmem>>, %arg2: memref<1024x3200xf32, #tpu.memory_space<vmem>>, %arg3: memref<1000x1024xf32, #tpu.memory_space<vmem>>) attributes {dimension_semantics = [#tpu.dimension_semantics<arbitrary>], iteration_bounds = array<i64: 1>, scalar_prefetch = 0 : i64, scratch_operands = 0 : i64, tpu.core_type = #tpu.core_type<tc>, window_params = [{transform_indices = @transform_0, window_bounds = array<i64: 1000, 3200>}, {transform_indices = @transform_1, window_bounds = array<i64: 1024, 3200>}, {pipeline_mode = #tpu.pipeline_mode<synchronous>, transform_indices = @transform_2, window_bounds = array<i64: 1000, 1024>}]} {
    %get3A = arith.constant 0 : index
    %get3A_0 = arith.constant 0 : index
    %get3A_1 = vector.load %arg1[%get3A, %get3A_0] : memref<1000x3200xf32, #tpu.memory_space<vmem>>, vector<1000x3200xf32>
    %get3A_2 = arith.constant 0 : index
    %get3A_3 = arith.constant 0 : index
    %get3A_4 = vector.load %arg2[%get3A_2, %get3A_3] : memref<1024x3200xf32, #tpu.memory_space<vmem>>, vector<1024x3200xf32>
    %dot_general3A = arith.constant dense<0.000000e+00> : vector<1000x1024xf32>
    %dot_general3A_5 = tpu.matmul %get3A_1, %get3A_4, %dot_general3A {dimension_numbers = #tpu.dot_dimension_numbers<[1], [1], [0], [0], [0, 0, 1, 0], [], []>, transpose_lhs_hint = false} : vector<1000x3200xf32>, vector<1024x3200xf32>, vector<1000x1024xf32> -> vector<1000x1024xf32>
    %swap3A = arith.constant 0 : index
    %swap3A_6 = arith.constant 0 : index
    %swap3A_7 = vector.load %arg3[%swap3A, %swap3A_6] : memref<1000x1024xf32, #tpu.memory_space<vmem>>, vector<1000x1024xf32>
    tpu.vector_store %arg3[%swap3A, %swap3A_6], %dot_general3A_5 {strides = array<i32>} : memref<1000x1024xf32, #tpu.memory_space<vmem>>, vector<1000x1024xf32>,
    return
  }
  func.func @transform_0(%arg0: i32) -> (i32, i32) {
    %c0_i32 = arith.constant 0 : i32
    %c2_i32 = arith.constant 2 : i32
    %c0_i32_0 = arith.constant 0 : i32
    return %c0_i32, %c2_i32 : i32, i32
  }
  func.func @transform_1(%arg0: i32) -> (i32, i32) {
    %c0_i32 = arith.constant 0 : i32
    %c2_i32 = arith.constant 2 : i32
    %c0_i32_0 = arith.constant 0 : i32
    return %c0_i32, %c2_i32 : i32, i32
  }
  func.func @transform_2(%arg0: i32) -> (i32, i32) {
    %c0_i32 = arith.constant 0 : i32
    %c0_i32_0 = arith.constant 0 : i32
    %c0_i32_1 = arith.constant 0 : i32
    return %c0_i32, %c0_i32_0 : i32, i32
  }
}

module attributes {stable_mosaic.version = 14 : i64} {
  func.func @_dot_body(%arg0: memref<1000x2944xf32, #tpu.memory_space<vmem>>, %arg1: memref<1024x2944xf32, #tpu.memory_space<vmem>>, %arg2: memref<1000x1024xf32, #tpu.memory_space<vmem>>) attributes {dimension_semantics = [], scalar_prefetch = 0 : i64, scratch_operands = 0 : i64, tpu.core_type = #tpu.core_type<tc>} {
    %get3A = arith.constant 0 : index
    %get3A_0 = arith.constant 0 : index
    %get3A_1 = vector.load %arg0[%get3A, %get3A_0] : memref<1000x2944xf32, #tpu.memory_space<vmem>>, vector<1000x2944xf32>
    %get3A_2 = arith.constant 0 : index
    %get3A_3 = arith.constant 0 : index
    %get3A_4 = vector.load %arg1[%get3A_2, %get3A_3] : memref<1024x2944xf32, #tpu.memory_space<vmem>>, vector<1024x2944xf32>
    %dot_general3A = arith.constant dense<0.000000e+00> : vector<1000x1024xf32>
    %dot_general3A_5 = tpu.matmul %get3A_1, %get3A_4, %dot_general3A {dimension_numbers = #tpu.dot_dimension_numbers<[1], [1], [0], [0], [0, 0, 1, 0], [], []>, transpose_lhs_hint = false} : vector<1000x2944xf32>, vector<1024x2944xf32>, vector<1000x1024xf32> -> vector<1000x1024xf32>
    %swap3A = arith.constant 0 : index
    %swap3A_6 = arith.constant 0 : index
    %swap3A_7 = vector.load %arg2[%swap3A, %swap3A_6] : memref<1000x1024xf32, #tpu.memory_space<vmem>>, vector<1000x1024xf32>
    tpu.vector_store %arg2[%swap3A, %swap3A_6], %dot_general3A_5 {strides = array<i32>} : memref<1000x1024xf32, #tpu.memory_space<vmem>>, vector<1000x1024xf32>,
    return
  }
}

module attributes {stable_mosaic.version = 14 : i64} {
  func.func @_head_body(%arg0: memref<1000x1024xf32, #tpu.memory_space<vmem>>, %arg1: memref<1x1024xf32, #tpu.memory_space<vmem>>, %arg2: memref<1024x1024xf32, #tpu.memory_space<vmem>>, %arg3: memref<1x1024xf32, #tpu.memory_space<vmem>>, %arg4: memref<128x1024xf32, #tpu.memory_space<vmem>>, %arg5: memref<1x128xf32, #tpu.memory_space<vmem>>, %arg6: memref<512x1024xf32, #tpu.memory_space<vmem>>, %arg7: memref<1x512xf32, #tpu.memory_space<vmem>>, %arg8: memref<1000x4xf32, #tpu.memory_space<vmem>>, %arg9: memref<8x128xf32, #tpu.memory_space<vmem>>, %arg10: memref<1000x16xf32, #tpu.memory_space<vmem>>, %arg11: memref<1000x16xi32, #tpu.memory_space<vmem>>, %arg12: memref<1000x128xf32, #tpu.memory_space<vmem>>, %arg13: memref<1000x128xf32, #tpu.memory_space<vmem>>, %arg14: memref<1000x128xf32, #tpu.memory_space<vmem>>, %arg15: memref<1000x128xf32, #tpu.memory_space<vmem>>) attributes {dimension_semantics = [], scalar_prefetch = 0 : i64, scratch_operands = 0 : i64, tpu.core_type = #tpu.core_type<tc>} {
    %get3A = arith.constant 0 : index
    %get3A_0 = arith.constant 0 : index
    %get3A_1 = vector.load %arg0[%get3A, %get3A_0] : memref<1000x1024xf32, #tpu.memory_space<vmem>>, vector<1000x1024xf32>
    %get3A_2 = arith.constant 0 : index
    %get3A_3 = arith.constant 0 : index
    %get3A_4 = vector.load %arg1[%get3A_2, %get3A_3] : memref<1x1024xf32, #tpu.memory_space<vmem>>, vector<1x1024xf32>
    %add3A = vector.broadcast %get3A_4 : vector<1x1024xf32> to vector<1000x1024xf32>
    %add3A_5 = arith.addf %get3A_1, %add3A : vector<1000x1024xf32>
    %max3A = arith.constant 0.000000e+00 : f32
    %max3A_6 = vector.broadcast %max3A : f32 to vector<1000x1024xf32>
    %max3A_7 = arith.maximumf %add3A_5, %max3A_6 : vector<1000x1024xf32>
    %get3A_8 = arith.constant 0 : index
    %get3A_9 = arith.constant 0 : index
    %get3A_10 = vector.load %arg2[%get3A_8, %get3A_9] : memref<1024x1024xf32, #tpu.memory_space<vmem>>, vector<1024x1024xf32>
    %dot_general3A = arith.constant dense<0.000000e+00> : vector<1000x1024xf32>
    %dot_general3A_11 = tpu.matmul %max3A_7, %get3A_10, %dot_general3A {dimension_numbers = #tpu.dot_dimension_numbers<[1], [1], [0], [0], [0, 0, 1, 0], [], []>, transpose_lhs_hint = false} : vector<1000x1024xf32>, vector<1024x1024xf32>, vector<1000x1024xf32> -> vector<1000x1024xf32>
    %get3A_12 = arith.constant 0 : index
    %get3A_13 = arith.constant 0 : index
    %get3A_14 = vector.load %arg3[%get3A_12, %get3A_13] : memref<1x1024xf32, #tpu.memory_space<vmem>>, vector<1x1024xf32>
    %add3A_15 = vector.broadcast %get3A_14 : vector<1x1024xf32> to vector<1000x1024xf32>
    %add3A_16 = arith.addf %dot_general3A_11, %add3A_15 : vector<1000x1024xf32>
    %max3A_17 = arith.constant 0.000000e+00 : f32
    %max3A_18 = vector.broadcast %max3A_17 : f32 to vector<1000x1024xf32>
    %max3A_19 = arith.maximumf %add3A_16, %max3A_18 : vector<1000x1024xf32>
    %get3A_20 = arith.constant 0 : index
    %get3A_21 = arith.constant 0 : index
    %get3A_22 = vector.load %arg4[%get3A_20, %get3A_21] : memref<128x1024xf32, #tpu.memory_space<vmem>>, vector<128x1024xf32>
    %dot_general3A_23 = arith.constant dense<0.000000e+00> : vector<1000x128xf32>
    %dot_general3A_24 = tpu.matmul %max3A_19, %get3A_22, %dot_general3A_23 {dimension_numbers = #tpu.dot_dimension_numbers<[1], [1], [0], [0], [0, 0, 1, 0], [], []>, transpose_lhs_hint = false} : vector<1000x1024xf32>, vector<128x1024xf32>, vector<1000x128xf32> -> vector<1000x128xf32>
    %get3A_25 = arith.constant 0 : index
    %get3A_26 = arith.constant 0 : index
    %get3A_27 = vector.load %arg5[%get3A_25, %get3A_26] : memref<1x128xf32, #tpu.memory_space<vmem>>, vector<1x128xf32>
    %add3A_28 = vector.broadcast %get3A_27 : vector<1x128xf32> to vector<1000x128xf32>
    %add3A_29 = arith.addf %dot_general3A_24, %add3A_28 : vector<1000x128xf32>
    %reduce_max3A = arith.constant dense<0xFF800000> : vector<1000xf32>
    %reduce_max3A_30 = vector.multi_reduction <maximumf>, %add3A_29, %reduce_max3A [1] : vector<1000x128xf32> to vector<1000xf32>
    %broadcast_in_dim3A = vector.shape_cast %reduce_max3A_30 : vector<1000xf32> to vector<1000x1xf32>
    %sub3A = vector.broadcast %broadcast_in_dim3A : vector<1000x1xf32> to vector<1000x128xf32>
    %sub3A_31 = arith.subf %add3A_29, %sub3A : vector<1000x128xf32>
    %exp3A = math.exp %sub3A_31 : vector<1000x128xf32>
    %reduce_sum3A = arith.constant dense<0.000000e+00> : vector<1000xf32>
    %reduce_sum3A_32 = vector.multi_reduction <add>, %exp3A, %reduce_sum3A [1] : vector<1000x128xf32> to vector<1000xf32>
    %broadcast_in_dim3A_33 = vector.shape_cast %reduce_sum3A_32 : vector<1000xf32> to vector<1000x1xf32>
    %div3A = vector.broadcast %broadcast_in_dim3A_33 : vector<1000x1xf32> to vector<1000x128xf32>
    %div3A_34 = arith.divf %exp3A, %div3A : vector<1000x128xf32>
    %iota3A = tpu.iota {dimensions = array<i32: 1>} : vector<1000x128xi32>
    %ge3A = arith.constant 1 : i32
    %ge3A_35 = vector.broadcast %ge3A : i32 to vector<1000x128xi32>
    %ge3A_36 = arith.cmpi sge, %iota3A, %ge3A_35 : vector<1000x128xi32>
    %lt3A = arith.constant 91 : i32
    %lt3A_37 = vector.broadcast %lt3A : i32 to vector<1000x128xi32>
    %lt3A_38 = arith.cmpi slt, %iota3A, %lt3A_37 : vector<1000x128xi32>
    %and3A = arith.andi %ge3A_36, %lt3A_38 : vector<1000x128xi1>
    %gt3A = arith.constant 1.000000e-01 : f32
    %gt3A_39 = vector.broadcast %gt3A : f32 to vector<1000x128xf32>
    %gt3A_40 = arith.cmpf ogt, %div3A_34, %gt3A_39 : vector<1000x128xf32>
    %jit3A = arith.constant -1.000000e+00 : f32
    %broadcast_in_dim3A_41 = vector.broadcast %jit3A : f32 to vector<1000x128xf32>
    %select_n3A = arith.select %gt3A_40, %div3A_34, %broadcast_in_dim3A_41 : vector<1000x128xi1>, vector<1000x128xf32>
    %jit3A_42 = arith.constant -2.000000e+00 : f32
    %broadcast_in_dim3A_43 = vector.broadcast %jit3A_42 : f32 to vector<1000x128xf32>
    %select_n3A_44 = arith.select %and3A, %select_n3A, %broadcast_in_dim3A_43 : vector<1000x128xi1>, vector<1000x128xf32>
    %slice3A = vector.extract_strided_slice %select_n3A_44 {offsets = [0, 0], sizes = [8, 128], strides = [1, 1]} : vector<1000x128xf32> to vector<8x128xf32>
    %swap3A = arith.constant 0 : index
    %swap3A_45 = arith.constant 0 : index
    %swap3A_46 = vector.load %arg9[%swap3A, %swap3A_45] : memref<8x128xf32, #tpu.memory_space<vmem>>, vector<8x128xf32>
    tpu.vector_store %arg9[%swap3A, %swap3A_45], %slice3A {strides = array<i32>} : memref<8x128xf32, #tpu.memory_space<vmem>>, vector<8x128xf32>,
    %reduce_max3A_47 = arith.constant dense<0xFF800000> : vector<1000xf32>
    %reduce_max3A_48 = vector.multi_reduction <maximumf>, %select_n3A_44, %reduce_max3A_47 [1] : vector<1000x128xf32> to vector<1000xf32>
    %broadcast_in_dim3A_49 = vector.shape_cast %reduce_max3A_48 : vector<1000xf32> to vector<1000x1xf32>
    %eq3A = vector.broadcast %broadcast_in_dim3A_49 : vector<1000x1xf32> to vector<1000x128xf32>
    %eq3A_50 = arith.cmpf oeq, %select_n3A_44, %eq3A : vector<1000x128xf32>
    %jit3A_51 = arith.constant 128 : i32
    %broadcast_in_dim3A_52 = vector.broadcast %jit3A_51 : i32 to vector<1000x128xi32>
    %select_n3A_53 = arith.select %eq3A_50, %iota3A, %broadcast_in_dim3A_52 : vector<1000x128xi1>, vector<1000x128xi32>
    %reduce_min3A = arith.constant dense<2147483647> : vector<1000xi32>
    %reduce_min3A_54 = vector.multi_reduction <minsi>, %select_n3A_53, %reduce_min3A [1] : vector<1000x128xi32> to vector<1000xi32>
    %broadcast_in_dim3A_55 = vector.shape_cast %reduce_min3A_54 : vector<1000xi32> to vector<1000x1xi32>
    %eq3A_56 = vector.broadcast %broadcast_in_dim3A_55 : vector<1000x1xi32> to vector<1000x128xi32>
    %eq3A_57 = arith.cmpi eq, %iota3A, %eq3A_56 : vector<1000x128xi32>
    %jit3A_58 = arith.constant -3.000000e+00 : f32
    %broadcast_in_dim3A_59 = vector.broadcast %jit3A_58 : f32 to vector<1000x128xf32>
    %select_n3A_60 = arith.select %eq3A_57, %broadcast_in_dim3A_59, %select_n3A_44 : vector<1000x128xi1>, vector<1000x128xf32>
    %reduce_max3A_61 = arith.constant dense<0xFF800000> : vector<1000xf32>
    %reduce_max3A_62 = vector.multi_reduction <maximumf>, %select_n3A_60, %reduce_max3A_61 [1] : vector<1000x128xf32> to vector<1000xf32>
    %broadcast_in_dim3A_63 = vector.shape_cast %reduce_max3A_62 : vector<1000xf32> to vector<1000x1xf32>
    %eq3A_64 = vector.broadcast %broadcast_in_dim3A_63 : vector<1000x1xf32> to vector<1000x128xf32>
    %eq3A_65 = arith.cmpf oeq, %select_n3A_60, %eq3A_64 : vector<1000x128xf32>
    %jit3A_66 = arith.constant 128 : i32
    %broadcast_in_dim3A_67 = vector.broadcast %jit3A_66 : i32 to vector<1000x128xi32>
    %select_n3A_68 = arith.select %eq3A_65, %iota3A, %broadcast_in_dim3A_67 : vector<1000x128xi1>, vector<1000x128xi32>
    %reduce_min3A_69 = arith.constant dense<2147483647> : vector<1000xi32>
    %reduce_min3A_70 = vector.multi_reduction <minsi>, %select_n3A_68, %reduce_min3A_69 [1] : vector<1000x128xi32> to vector<1000xi32>
    %broadcast_in_dim3A_71 = vector.shape_cast %reduce_min3A_70 : vector<1000xi32> to vector<1000x1xi32>
    %eq3A_72 = vector.broadcast %broadcast_in_dim3A_71 : vector<1000x1xi32> to vector<1000x128xi32>
    %eq3A_73 = arith.cmpi eq, %iota3A, %eq3A_72 : vector<1000x128xi32>
    %jit3A_74 = arith.constant -3.000000e+00 : f32
    %broadcast_in_dim3A_75 = vector.broadcast %jit3A_74 : f32 to vector<1000x128xf32>
    %select_n3A_76 = arith.select %eq3A_73, %broadcast_in_dim3A_75, %select_n3A_60 : vector<1000x128xi1>, vector<1000x128xf32>
    %reduce_max3A_77 = arith.constant dense<0xFF800000> : vector<1000xf32>
    %reduce_max3A_78 = vector.multi_reduction <maximumf>, %select_n3A_76, %reduce_max3A_77 [1] : vector<1000x128xf32> to vector<1000xf32>
    %broadcast_in_dim3A_79 = vector.shape_cast %reduce_max3A_78 : vector<1000xf32> to vector<1000x1xf32>
    %eq3A_80 = vector.broadcast %broadcast_in_dim3A_79 : vector<1000x1xf32> to vector<1000x128xf32>
    %eq3A_81 = arith.cmpf oeq, %select_n3A_76, %eq3A_80 : vector<1000x128xf32>
    %jit3A_82 = arith.constant 128 : i32
    %broadcast_in_dim3A_83 = vector.broadcast %jit3A_82 : i32 to vector<1000x128xi32>
    %select_n3A_84 = arith.select %eq3A_81, %iota3A, %broadcast_in_dim3A_83 : vector<1000x128xi1>, vector<1000x128xi32>
    %reduce_min3A_85 = arith.constant dense<2147483647> : vector<1000xi32>
    %reduce_min3A_86 = vector.multi_reduction <minsi>, %select_n3A_84, %reduce_min3A_85 [1] : vector<1000x128xi32> to vector<1000xi32>
    %broadcast_in_dim3A_87 = vector.shape_cast %reduce_min3A_86 : vector<1000xi32> to vector<1000x1xi32>
    %eq3A_88 = vector.broadcast %broadcast_in_dim3A_87 : vector<1000x1xi32> to vector<1000x128xi32>
    %eq3A_89 = arith.cmpi eq, %iota3A, %eq3A_88 : vector<1000x128xi32>
    %jit3A_90 = arith.constant -3.000000e+00 : f32
    %broadcast_in_dim3A_91 = vector.broadcast %jit3A_90 : f32 to vector<1000x128xf32>
    %select_n3A_92 = arith.select %eq3A_89, %broadcast_in_dim3A_91, %select_n3A_76 : vector<1000x128xi1>, vector<1000x128xf32>
    %reduce_max3A_93 = arith.constant dense<0xFF800000> : vector<1000xf32>
    %reduce_max3A_94 = vector.multi_reduction <maximumf>, %select_n3A_92, %reduce_max3A_93 [1] : vector<1000x128xf32> to vector<1000xf32>
    %broadcast_in_dim3A_95 = vector.shape_cast %reduce_max3A_94 : vector<1000xf32> to vector<1000x1xf32>
    %eq3A_96 = vector.broadcast %broadcast_in_dim3A_95 : vector<1000x1xf32> to vector<1000x128xf32>
    %eq3A_97 = arith.cmpf oeq, %select_n3A_92, %eq3A_96 : vector<1000x128xf32>
    %jit3A_98 = arith.constant 128 : i32
    %broadcast_in_dim3A_99 = vector.broadcast %jit3A_98 : i32 to vector<1000x128xi32>
    %select_n3A_100 = arith.select %eq3A_97, %iota3A, %broadcast_in_dim3A_99 : vector<1000x128xi1>, vector<1000x128xi32>
    %reduce_min3A_101 = arith.constant dense<2147483647> : vector<1000xi32>
    %reduce_min3A_102 = vector.multi_reduction <minsi>, %select_n3A_100, %reduce_min3A_101 [1] : vector<1000x128xi32> to vector<1000xi32>
    %broadcast_in_dim3A_103 = vector.shape_cast %reduce_min3A_102 : vector<1000xi32> to vector<1000x1xi32>
    %eq3A_104 = vector.broadcast %broadcast_in_dim3A_103 : vector<1000x1xi32> to vector<1000x128xi32>
    %eq3A_105 = arith.cmpi eq, %iota3A, %eq3A_104 : vector<1000x128xi32>
    %jit3A_106 = arith.constant -3.000000e+00 : f32
    %broadcast_in_dim3A_107 = vector.broadcast %jit3A_106 : f32 to vector<1000x128xf32>
    %select_n3A_108 = arith.select %eq3A_105, %broadcast_in_dim3A_107, %select_n3A_92 : vector<1000x128xi1>, vector<1000x128xf32>
    %reduce_max3A_109 = arith.constant dense<0xFF800000> : vector<1000xf32>
    %reduce_max3A_110 = vector.multi_reduction <maximumf>, %select_n3A_108, %reduce_max3A_109 [1] : vector<1000x128xf32> to vector<1000xf32>
    %broadcast_in_dim3A_111 = vector.shape_cast %reduce_max3A_110 : vector<1000xf32> to vector<1000x1xf32>
    %eq3A_112 = vector.broadcast %broadcast_in_dim3A_111 : vector<1000x1xf32> to vector<1000x128xf32>
    %eq3A_113 = arith.cmpf oeq, %select_n3A_108, %eq3A_112 : vector<1000x128xf32>
    %jit3A_114 = arith.constant 128 : i32
    %broadcast_in_dim3A_115 = vector.broadcast %jit3A_114 : i32 to vector<1000x128xi32>
    %select_n3A_116 = arith.select %eq3A_113, %iota3A, %broadcast_in_dim3A_115 : vector<1000x128xi1>, vector<1000x128xi32>
    %reduce_min3A_117 = arith.constant dense<2147483647> : vector<1000xi32>
    %reduce_min3A_118 = vector.multi_reduction <minsi>, %select_n3A_116, %reduce_min3A_117 [1] : vector<1000x128xi32> to vector<1000xi32>
    %broadcast_in_dim3A_119 = vector.shape_cast %reduce_min3A_118 : vector<1000xi32> to vector<1000x1xi32>
    %eq3A_120 = vector.broadcast %broadcast_in_dim3A_119 : vector<1000x1xi32> to vector<1000x128xi32>
    %eq3A_121 = arith.cmpi eq, %iota3A, %eq3A_120 : vector<1000x128xi32>
    %jit3A_122 = arith.constant -3.000000e+00 : f32
    %broadcast_in_dim3A_123 = vector.broadcast %jit3A_122 : f32 to vector<1000x128xf32>
    %select_n3A_124 = arith.select %eq3A_121, %broadcast_in_dim3A_123, %select_n3A_108 : vector<1000x128xi1>, vector<1000x128xf32>
    %reduce_max3A_125 = arith.constant dense<0xFF800000> : vector<1000xf32>
    %reduce_max3A_126 = vector.multi_reduction <maximumf>, %select_n3A_124, %reduce_max3A_125 [1] : vector<1000x128xf32> to vector<1000xf32>
    %broadcast_in_dim3A_127 = vector.shape_cast %reduce_max3A_126 : vector<1000xf32> to vector<1000x1xf32>
    %eq3A_128 = vector.broadcast %broadcast_in_dim3A_127 : vector<1000x1xf32> to vector<1000x128xf32>
    %eq3A_129 = arith.cmpf oeq, %select_n3A_124, %eq3A_128 : vector<1000x128xf32>
    %jit3A_130 = arith.constant 128 : i32
    %broadcast_in_dim3A_131 = vector.broadcast %jit3A_130 : i32 to vector<1000x128xi32>
    %select_n3A_132 = arith.select %eq3A_129, %iota3A, %broadcast_in_dim3A_131 : vector<1000x128xi1>, vector<1000x128xi32>
    %reduce_min3A_133 = arith.constant dense<2147483647> : vector<1000xi32>
    %reduce_min3A_134 = vector.multi_reduction <minsi>, %select_n3A_132, %reduce_min3A_133 [1] : vector<1000x128xi32> to vector<1000xi32>
    %broadcast_in_dim3A_135 = vector.shape_cast %reduce_min3A_134 : vector<1000xi32> to vector<1000x1xi32>
    %eq3A_136 = vector.broadcast %broadcast_in_dim3A_135 : vector<1000x1xi32> to vector<1000x128xi32>
    %eq3A_137 = arith.cmpi eq, %iota3A, %eq3A_136 : vector<1000x128xi32>
    %jit3A_138 = arith.constant -3.000000e+00 : f32
    %broadcast_in_dim3A_139 = vector.broadcast %jit3A_138 : f32 to vector<1000x128xf32>
    %select_n3A_140 = arith.select %eq3A_137, %broadcast_in_dim3A_139, %select_n3A_124 : vector<1000x128xi1>, vector<1000x128xf32>
    %reduce_max3A_141 = arith.constant dense<0xFF800000> : vector<1000xf32>
    %reduce_max3A_142 = vector.multi_reduction <maximumf>, %select_n3A_140, %reduce_max3A_141 [1] : vector<1000x128xf32> to vector<1000xf32>
    %broadcast_in_dim3A_143 = vector.shape_cast %reduce_max3A_142 : vector<1000xf32> to vector<1000x1xf32>
    %eq3A_144 = vector.broadcast %broadcast_in_dim3A_143 : vector<1000x1xf32> to vector<1000x128xf32>
    %eq3A_145 = arith.cmpf oeq, %select_n3A_140, %eq3A_144 : vector<1000x128xf32>
    %jit3A_146 = arith.constant 128 : i32
    %broadcast_in_dim3A_147 = vector.broadcast %jit3A_146 : i32 to vector<1000x128xi32>
    %select_n3A_148 = arith.select %eq3A_145, %iota3A, %broadcast_in_dim3A_147 : vector<1000x128xi1>, vector<1000x128xi32>
    %reduce_min3A_149 = arith.constant dense<2147483647> : vector<1000xi32>
    %reduce_min3A_150 = vector.multi_reduction <minsi>, %select_n3A_148, %reduce_min3A_149 [1] : vector<1000x128xi32> to vector<1000xi32>
    %broadcast_in_dim3A_151 = vector.shape_cast %reduce_min3A_150 : vector<1000xi32> to vector<1000x1xi32>
    %eq3A_152 = vector.broadcast %broadcast_in_dim3A_151 : vector<1000x1xi32> to vector<1000x128xi32>
    %eq3A_153 = arith.cmpi eq, %iota3A, %eq3A_152 : vector<1000x128xi32>
    %jit3A_154 = arith.constant -3.000000e+00 : f32
    %broadcast_in_dim3A_155 = vector.broadcast %jit3A_154 : f32 to vector<1000x128xf32>
    %select_n3A_156 = arith.select %eq3A_153, %broadcast_in_dim3A_155, %select_n3A_140 : vector<1000x128xi1>, vector<1000x128xf32>
    %reduce_max3A_157 = arith.constant dense<0xFF800000> : vector<1000xf32>
    %reduce_max3A_158 = vector.multi_reduction <maximumf>, %select_n3A_156, %reduce_max3A_157 [1] : vector<1000x128xf32> to vector<1000xf32>
    %broadcast_in_dim3A_159 = vector.shape_cast %reduce_max3A_158 : vector<1000xf32> to vector<1000x1xf32>
    %eq3A_160 = vector.broadcast %broadcast_in_dim3A_159 : vector<1000x1xf32> to vector<1000x128xf32>
    %eq3A_161 = arith.cmpf oeq, %select_n3A_156, %eq3A_160 : vector<1000x128xf32>
    %jit3A_162 = arith.constant 128 : i32
    %broadcast_in_dim3A_163 = vector.broadcast %jit3A_162 : i32 to vector<1000x128xi32>
    %select_n3A_164 = arith.select %eq3A_161, %iota3A, %broadcast_in_dim3A_163 : vector<1000x128xi1>, vector<1000x128xi32>
    %reduce_min3A_165 = arith.constant dense<2147483647> : vector<1000xi32>
    %reduce_min3A_166 = vector.multi_reduction <minsi>, %select_n3A_164, %reduce_min3A_165 [1] : vector<1000x128xi32> to vector<1000xi32>
    %broadcast_in_dim3A_167 = vector.shape_cast %reduce_min3A_166 : vector<1000xi32> to vector<1000x1xi32>
    %eq3A_168 = vector.broadcast %broadcast_in_dim3A_167 : vector<1000x1xi32> to vector<1000x128xi32>
    %eq3A_169 = arith.cmpi eq, %iota3A, %eq3A_168 : vector<1000x128xi32>
    %jit3A_170 = arith.constant -3.000000e+00 : f32
    %broadcast_in_dim3A_171 = vector.broadcast %jit3A_170 : f32 to vector<1000x128xf32>
    %select_n3A_172 = arith.select %eq3A_169, %broadcast_in_dim3A_171, %select_n3A_156 : vector<1000x128xi1>, vector<1000x128xf32>
    %reduce_max3A_173 = arith.constant dense<0xFF800000> : vector<1000xf32>
    %reduce_max3A_174 = vector.multi_reduction <maximumf>, %select_n3A_172, %reduce_max3A_173 [1] : vector<1000x128xf32> to vector<1000xf32>
    %broadcast_in_dim3A_175 = vector.shape_cast %reduce_max3A_174 : vector<1000xf32> to vector<1000x1xf32>
    %eq3A_176 = vector.broadcast %broadcast_in_dim3A_175 : vector<1000x1xf32> to vector<1000x128xf32>
    %eq3A_177 = arith.cmpf oeq, %select_n3A_172, %eq3A_176 : vector<1000x128xf32>
    %jit3A_178 = arith.constant 128 : i32
    %broadcast_in_dim3A_179 = vector.broadcast %jit3A_178 : i32 to vector<1000x128xi32>
    %select_n3A_180 = arith.select %eq3A_177, %iota3A, %broadcast_in_dim3A_179 : vector<1000x128xi1>, vector<1000x128xi32>
    %reduce_min3A_181 = arith.constant dense<2147483647> : vector<1000xi32>
    %reduce_min3A_182 = vector.multi_reduction <minsi>, %select_n3A_180, %reduce_min3A_181 [1] : vector<1000x128xi32> to vector<1000xi32>
    %broadcast_in_dim3A_183 = vector.shape_cast %reduce_min3A_182 : vector<1000xi32> to vector<1000x1xi32>
    %eq3A_184 = vector.broadcast %broadcast_in_dim3A_183 : vector<1000x1xi32> to vector<1000x128xi32>
    %eq3A_185 = arith.cmpi eq, %iota3A, %eq3A_184 : vector<1000x128xi32>
    %jit3A_186 = arith.constant -3.000000e+00 : f32
    %broadcast_in_dim3A_187 = vector.broadcast %jit3A_186 : f32 to vector<1000x128xf32>
    %select_n3A_188 = arith.select %eq3A_185, %broadcast_in_dim3A_187, %select_n3A_172 : vector<1000x128xi1>, vector<1000x128xf32>
    %reduce_max3A_189 = arith.constant dense<0xFF800000> : vector<1000xf32>
    %reduce_max3A_190 = vector.multi_reduction <maximumf>, %select_n3A_188, %reduce_max3A_189 [1] : vector<1000x128xf32> to vector<1000xf32>
    %broadcast_in_dim3A_191 = vector.shape_cast %reduce_max3A_190 : vector<1000xf32> to vector<1000x1xf32>
    %eq3A_192 = vector.broadcast %broadcast_in_dim3A_191 : vector<1000x1xf32> to vector<1000x128xf32>
    %eq3A_193 = arith.cmpf oeq, %select_n3A_188, %eq3A_192 : vector<1000x128xf32>
    %jit3A_194 = arith.constant 128 : i32
    %broadcast_in_dim3A_195 = vector.broadcast %jit3A_194 : i32 to vector<1000x128xi32>
    %select_n3A_196 = arith.select %eq3A_193, %iota3A, %broadcast_in_dim3A_195 : vector<1000x128xi1>, vector<1000x128xi32>
    %reduce_min3A_197 = arith.constant dense<2147483647> : vector<1000xi32>
    %reduce_min3A_198 = vector.multi_reduction <minsi>, %select_n3A_196, %reduce_min3A_197 [1] : vector<1000x128xi32> to vector<1000xi32>
    %broadcast_in_dim3A_199 = vector.shape_cast %reduce_min3A_198 : vector<1000xi32> to vector<1000x1xi32>
    %eq3A_200 = vector.broadcast %broadcast_in_dim3A_199 : vector<1000x1xi32> to vector<1000x128xi32>
    %eq3A_201 = arith.cmpi eq, %iota3A, %eq3A_200 : vector<1000x128xi32>
    %jit3A_202 = arith.constant -3.000000e+00 : f32
    %broadcast_in_dim3A_203 = vector.broadcast %jit3A_202 : f32 to vector<1000x128xf32>
    %select_n3A_204 = arith.select %eq3A_201, %broadcast_in_dim3A_203, %select_n3A_188 : vector<1000x128xi1>, vector<1000x128xf32>
    %reduce_max3A_205 = arith.constant dense<0xFF800000> : vector<1000xf32>
    %reduce_max3A_206 = vector.multi_reduction <maximumf>, %select_n3A_204, %reduce_max3A_205 [1] : vector<1000x128xf32> to vector<1000xf32>
    %broadcast_in_dim3A_207 = vector.shape_cast %reduce_max3A_206 : vector<1000xf32> to vector<1000x1xf32>
    %eq3A_208 = vector.broadcast %broadcast_in_dim3A_207 : vector<1000x1xf32> to vector<1000x128xf32>
    %eq3A_209 = arith.cmpf oeq, %select_n3A_204, %eq3A_208 : vector<1000x128xf32>
    %jit3A_210 = arith.constant 128 : i32
    %broadcast_in_dim3A_211 = vector.broadcast %jit3A_210 : i32 to vector<1000x128xi32>
    %select_n3A_212 = arith.select %eq3A_209, %iota3A, %broadcast_in_dim3A_211 : vector<1000x128xi1>, vector<1000x128xi32>
    %reduce_min3A_213 = arith.constant dense<2147483647> : vector<1000xi32>
    %reduce_min3A_214 = vector.multi_reduction <minsi>, %select_n3A_212, %reduce_min3A_213 [1] : vector<1000x128xi32> to vector<1000xi32>
    %broadcast_in_dim3A_215 = vector.shape_cast %reduce_min3A_214 : vector<1000xi32> to vector<1000x1xi32>
    %eq3A_216 = vector.broadcast %broadcast_in_dim3A_215 : vector<1000x1xi32> to vector<1000x128xi32>
    %eq3A_217 = arith.cmpi eq, %iota3A, %eq3A_216 : vector<1000x128xi32>
    %jit3A_218 = arith.constant -3.000000e+00 : f32
    %broadcast_in_dim3A_219 = vector.broadcast %jit3A_218 : f32 to vector<1000x128xf32>
    %select_n3A_220 = arith.select %eq3A_217, %broadcast_in_dim3A_219, %select_n3A_204 : vector<1000x128xi1>, vector<1000x128xf32>
    %reduce_max3A_221 = arith.constant dense<0xFF800000> : vector<1000xf32>
    %reduce_max3A_222 = vector.multi_reduction <maximumf>, %select_n3A_220, %reduce_max3A_221 [1] : vector<1000x128xf32> to vector<1000xf32>
    %broadcast_in_dim3A_223 = vector.shape_cast %reduce_max3A_222 : vector<1000xf32> to vector<1000x1xf32>
    %eq3A_224 = vector.broadcast %broadcast_in_dim3A_223 : vector<1000x1xf32> to vector<1000x128xf32>
    %eq3A_225 = arith.cmpf oeq, %select_n3A_220, %eq3A_224 : vector<1000x128xf32>
    %jit3A_226 = arith.constant 128 : i32
    %broadcast_in_dim3A_227 = vector.broadcast %jit3A_226 : i32 to vector<1000x128xi32>
    %select_n3A_228 = arith.select %eq3A_225, %iota3A, %broadcast_in_dim3A_227 : vector<1000x128xi1>, vector<1000x128xi32>
    %reduce_min3A_229 = arith.constant dense<2147483647> : vector<1000xi32>
    %reduce_min3A_230 = vector.multi_reduction <minsi>, %select_n3A_228, %reduce_min3A_229 [1] : vector<1000x128xi32> to vector<1000xi32>
    %broadcast_in_dim3A_231 = vector.shape_cast %reduce_min3A_230 : vector<1000xi32> to vector<1000x1xi32>
    %broadcast_in_dim3A_232 = arith.constant -3.000000e+00 : f32
    %broadcast_in_dim3A_233 = vector.broadcast %broadcast_in_dim3A_232 : f32 to vector<1000x1xf32>
    %concatenate3A = tpu.concatenate %broadcast_in_dim3A_49, %broadcast_in_dim3A_63, %broadcast_in_dim3A_79, %broadcast_in_dim3A_95, %broadcast_in_dim3A_111, %broadcast_in_dim3A_127, %broadcast_in_dim3A_143, %broadcast_in_dim3A_159, %broadcast_in_dim3A_175, %broadcast_in_dim3A_191, %broadcast_in_dim3A_207, %broadcast_in_dim3A_223, %broadcast_in_dim3A_233, %broadcast_in_dim3A_233, %broadcast_in_dim3A_233, %broadcast_in_dim3A_233 in 1 : vector<1000x1xf32>, vector<1000x1xf32>, vector<1000x1xf32>, vector<1000x1xf32>, vector<1000x1xf32>, vector<1000x1xf32>, vector<1000x1xf32>, vector<1000x1xf32>, vector<1000x1xf32>, vector<1000x1xf32>, vector<1000x1xf32>, vector<1000x1xf32>, vector<1000x1xf32>, vector<1000x1xf32>, vector<1000x1xf32>, vector<1000x1xf32> -> vector<1000x16xf32>
    %broadcast_in_dim3A_234 = arith.constant 0 : i32
    %broadcast_in_dim3A_235 = vector.broadcast %broadcast_in_dim3A_234 : i32 to vector<1000x1xi32>
    %concatenate3A_236 = tpu.concatenate %broadcast_in_dim3A_55, %broadcast_in_dim3A_71, %broadcast_in_dim3A_87, %broadcast_in_dim3A_103, %broadcast_in_dim3A_119, %broadcast_in_dim3A_135, %broadcast_in_dim3A_151, %broadcast_in_dim3A_167, %broadcast_in_dim3A_183, %broadcast_in_dim3A_199, %broadcast_in_dim3A_215, %broadcast_in_dim3A_231, %broadcast_in_dim3A_235, %broadcast_in_dim3A_235, %broadcast_in_dim3A_235, %broadcast_in_dim3A_235 in 1 : vector<1000x1xi32>, vector<1000x1xi32>, vector<1000x1xi32>, vector<1000x1xi32>, vector<1000x1xi32>, vector<1000x1xi32>, vector<1000x1xi32>, vector<1000x1xi32>, vector<1000x1xi32>, vector<1000x1xi32>, vector<1000x1xi32>, vector<1000x1xi32>, vector<1000x1xi32>, vector<1000x1xi32>, vector<1000x1xi32>, vector<1000x1xi32> -> vector<1000x16xi32>
    %iota3A_237 = tpu.iota {dimensions = array<i32: 0>} : vector<1000x16xi32>
    %swap3A_238 = arith.constant 0 : index
    %swap3A_239 = arith.constant 0 : index
    %swap3A_240 = vector.load %arg10[%swap3A_238, %swap3A_239] : memref<1000x16xf32, #tpu.memory_space<vmem>>, vector<1000x16xf32>
    tpu.vector_store %arg10[%swap3A_238, %swap3A_239], %concatenate3A {strides = array<i32>} : memref<1000x16xf32, #tpu.memory_space<vmem>>, vector<1000x16xf32>,
    %mul3A = arith.constant 128 : i32
    %mul3A_241 = vector.broadcast %mul3A : i32 to vector<1000x16xi32>
    %mul3A_242 = arith.muli %iota3A_237, %mul3A_241 : vector<1000x16xi32>
    %add3A_243 = arith.addi %mul3A_242, %concatenate3A_236 : vector<1000x16xi32>
    %swap3A_244 = arith.constant 0 : index
    %swap3A_245 = arith.constant 0 : index
    %swap3A_246 = vector.load %arg11[%swap3A_244, %swap3A_245] : memref<1000x16xi32, #tpu.memory_space<vmem>>, vector<1000x16xi32>
    tpu.vector_store %arg11[%swap3A_244, %swap3A_245], %add3A_243 {strides = array<i32>} : memref<1000x16xi32, #tpu.memory_space<vmem>>, vector<1000x16xi32>,
    %get3A_247 = arith.constant 0 : index
    %get3A_248 = arith.constant 0 : index
    %get3A_249 = vector.load %arg6[%get3A_247, %get3A_248] : memref<512x1024xf32, #tpu.memory_space<vmem>>, vector<512x1024xf32>
    %dot_general3A_250 = arith.constant dense<0.000000e+00> : vector<1000x512xf32>
    %dot_general3A_251 = tpu.matmul %max3A_19, %get3A_249, %dot_general3A_250 {dimension_numbers = #tpu.dot_dimension_numbers<[1], [1], [0], [0], [0, 0, 1, 0], [], []>, transpose_lhs_hint = false} : vector<1000x1024xf32>, vector<512x1024xf32>, vector<1000x512xf32> -> vector<1000x512xf32>
    %get3A_252 = arith.constant 0 : index
    %get3A_253 = arith.constant 0 : index
    %get3A_254 = vector.load %arg7[%get3A_252, %get3A_253] : memref<1x512xf32, #tpu.memory_space<vmem>>, vector<1x512xf32>
    %add3A_255 = vector.broadcast %get3A_254 : vector<1x512xf32> to vector<1000x512xf32>
    %add3A_256 = arith.addf %dot_general3A_251, %add3A_255 : vector<1000x512xf32>
    %slice3A_257 = vector.extract_strided_slice %add3A_256 {offsets = [0, 0], sizes = [1000, 128], strides = [1, 1]} : vector<1000x512xf32> to vector<1000x128xf32>
    %div3A_258 = arith.constant 1.000000e+01 : f32
    %div3A_259 = vector.broadcast %div3A_258 : f32 to vector<1000x128xf32>
    %div3A_260 = arith.divf %slice3A_257, %div3A_259 : vector<1000x128xf32>
    %slice3A_261 = vector.extract_strided_slice %add3A_256 {offsets = [0, 128], sizes = [1000, 128], strides = [1, 1]} : vector<1000x512xf32> to vector<1000x128xf32>
    %div3A_262 = arith.constant 1.000000e+01 : f32
    %div3A_263 = vector.broadcast %div3A_262 : f32 to vector<1000x128xf32>
    %div3A_264 = arith.divf %slice3A_261, %div3A_263 : vector<1000x128xf32>
    %slice3A_265 = vector.extract_strided_slice %add3A_256 {offsets = [0, 256], sizes = [1000, 128], strides = [1, 1]} : vector<1000x512xf32> to vector<1000x128xf32>
    %div3A_266 = arith.constant 5.000000e+00 : f32
    %div3A_267 = vector.broadcast %div3A_266 : f32 to vector<1000x128xf32>
    %div3A_268 = arith.divf %slice3A_265, %div3A_267 : vector<1000x128xf32>
    %min3A = arith.constant 4.135000e+00 : f32
    %min3A_269 = vector.broadcast %min3A : f32 to vector<1000x128xf32>
    %min3A_270 = arith.minimumf %div3A_268, %min3A_269 : vector<1000x128xf32>
    %slice3A_271 = vector.extract_strided_slice %add3A_256 {offsets = [0, 384], sizes = [1000, 128], strides = [1, 1]} : vector<1000x512xf32> to vector<1000x128xf32>
    %div3A_272 = arith.constant 5.000000e+00 : f32
    %div3A_273 = vector.broadcast %div3A_272 : f32 to vector<1000x128xf32>
    %div3A_274 = arith.divf %slice3A_271, %div3A_273 : vector<1000x128xf32>
    %min3A_275 = arith.constant 4.135000e+00 : f32
    %min3A_276 = vector.broadcast %min3A_275 : f32 to vector<1000x128xf32>
    %min3A_277 = arith.minimumf %div3A_274, %min3A_276 : vector<1000x128xf32>
    %get3A_278 = arith.constant 0 : index
    %get3A_279 = arith.constant 0 : index
    %get3A_280 = vector.load %arg8[%get3A_278, %get3A_279] : memref<1000x4xf32, #tpu.memory_space<vmem>>, vector<1000x4xf32>
    %slice3A_281 = vector.extract_strided_slice %get3A_280 {offsets = [0, 2], sizes = [1000, 1], strides = [1, 1]} : vector<1000x4xf32> to vector<1000x1xf32>
    %slice3A_282 = vector.extract_strided_slice %get3A_280 {offsets = [0, 0], sizes = [1000, 1], strides = [1, 1]} : vector<1000x4xf32> to vector<1000x1xf32>
    %sub3A_283 = arith.subf %slice3A_281, %slice3A_282 : vector<1000x1xf32>
    %slice3A_284 = vector.extract_strided_slice %get3A_280 {offsets = [0, 3], sizes = [1000, 1], strides = [1, 1]} : vector<1000x4xf32> to vector<1000x1xf32>
    %slice3A_285 = vector.extract_strided_slice %get3A_280 {offsets = [0, 1], sizes = [1000, 1], strides = [1, 1]} : vector<1000x4xf32> to vector<1000x1xf32>
    %sub3A_286 = arith.subf %slice3A_284, %slice3A_285 : vector<1000x1xf32>
    %slice3A_287 = vector.extract_strided_slice %get3A_280 {offsets = [0, 0], sizes = [1000, 1], strides = [1, 1]} : vector<1000x4xf32> to vector<1000x1xf32>
    %mul3A_288 = arith.constant 5.000000e-01 : f32
    %mul3A_289 = vector.broadcast %mul3A_288 : f32 to vector<1000x1xf32>
    %mul3A_290 = arith.mulf %mul3A_289, %sub3A_283 : vector<1000x1xf32>
    %add3A_291 = arith.addf %slice3A_287, %mul3A_290 : vector<1000x1xf32>
    %slice3A_292 = vector.extract_strided_slice %get3A_280 {offsets = [0, 1], sizes = [1000, 1], strides = [1, 1]} : vector<1000x4xf32> to vector<1000x1xf32>
    %mul3A_293 = arith.constant 5.000000e-01 : f32
    %mul3A_294 = vector.broadcast %mul3A_293 : f32 to vector<1000x1xf32>
    %mul3A_295 = arith.mulf %mul3A_294, %sub3A_286 : vector<1000x1xf32>
    %add3A_296 = arith.addf %slice3A_292, %mul3A_295 : vector<1000x1xf32>
    %mul3A_297 = vector.broadcast %sub3A_283 : vector<1000x1xf32> to vector<1000x128xf32>
    %mul3A_298 = arith.mulf %div3A_260, %mul3A_297 : vector<1000x128xf32>
    %add3A_299 = vector.broadcast %add3A_291 : vector<1000x1xf32> to vector<1000x128xf32>
    %add3A_300 = arith.addf %mul3A_298, %add3A_299 : vector<1000x128xf32>
    %mul3A_301 = vector.broadcast %sub3A_286 : vector<1000x1xf32> to vector<1000x128xf32>
    %mul3A_302 = arith.mulf %div3A_264, %mul3A_301 : vector<1000x128xf32>
    %add3A_303 = vector.broadcast %add3A_296 : vector<1000x1xf32> to vector<1000x128xf32>
    %add3A_304 = arith.addf %mul3A_302, %add3A_303 : vector<1000x128xf32>
    %exp3A_305 = math.exp %min3A_270 : vector<1000x128xf32>
    %mul3A_306 = vector.broadcast %sub3A_283 : vector<1000x1xf32> to vector<1000x128xf32>
    %mul3A_307 = arith.mulf %exp3A_305, %mul3A_306 : vector<1000x128xf32>
    %exp3A_308 = math.exp %min3A_277 : vector<1000x128xf32>
    %mul3A_309 = vector.broadcast %sub3A_286 : vector<1000x1xf32> to vector<1000x128xf32>
    %mul3A_310 = arith.mulf %exp3A_308, %mul3A_309 : vector<1000x128xf32>
    %mul3A_311 = arith.constant 5.000000e-01 : f32
    %mul3A_312 = vector.broadcast %mul3A_311 : f32 to vector<1000x128xf32>
    %mul3A_313 = arith.mulf %mul3A_312, %mul3A_307 : vector<1000x128xf32>
    %sub3A_314 = arith.subf %add3A_300, %mul3A_313 : vector<1000x128xf32>
    %jit3A_315 = arith.constant 0.000000e+00 : f32
    %jit3A_316 = arith.constant 1.066000e+03 : f32
    %max3A_317 = vector.broadcast %jit3A_315 : f32 to vector<1000x128xf32>
    %max3A_318 = arith.maximumf %max3A_317, %sub3A_314 : vector<1000x128xf32>
    %min3A_319 = vector.broadcast %jit3A_316 : f32 to vector<1000x128xf32>
    %min3A_320 = arith.minimumf %min3A_319, %max3A_318 : vector<1000x128xf32>
    %swap3A_321 = arith.constant 0 : index
    %swap3A_322 = arith.constant 0 : index
    %swap3A_323 = vector.load %arg12[%swap3A_321, %swap3A_322] : memref<1000x128xf32, #tpu.memory_space<vmem>>, vector<1000x128xf32>
    tpu.vector_store %arg12[%swap3A_321, %swap3A_322], %min3A_320 {strides = array<i32>} : memref<1000x128xf32, #tpu.memory_space<vmem>>, vector<1000x128xf32>,
    %mul3A_324 = arith.constant 5.000000e-01 : f32
    %mul3A_325 = vector.broadcast %mul3A_324 : f32 to vector<1000x128xf32>
    %mul3A_326 = arith.mulf %mul3A_325, %mul3A_310 : vector<1000x128xf32>
    %sub3A_327 = arith.subf %add3A_304, %mul3A_326 : vector<1000x128xf32>
    %jit3A_328 = arith.constant 0.000000e+00 : f32
    %jit3A_329 = arith.constant 8.000000e+02 : f32
    %max3A_330 = vector.broadcast %jit3A_328 : f32 to vector<1000x128xf32>
    %max3A_331 = arith.maximumf %max3A_330, %sub3A_327 : vector<1000x128xf32>
    %min3A_332 = vector.broadcast %jit3A_329 : f32 to vector<1000x128xf32>
    %min3A_333 = arith.minimumf %min3A_332, %max3A_331 : vector<1000x128xf32>
    %swap3A_334 = arith.constant 0 : index
    %swap3A_335 = arith.constant 0 : index
    %swap3A_336 = vector.load %arg13[%swap3A_334, %swap3A_335] : memref<1000x128xf32, #tpu.memory_space<vmem>>, vector<1000x128xf32>
    tpu.vector_store %arg13[%swap3A_334, %swap3A_335], %min3A_333 {strides = array<i32>} : memref<1000x128xf32, #tpu.memory_space<vmem>>, vector<1000x128xf32>,
    %mul3A_337 = arith.constant 5.000000e-01 : f32
    %mul3A_338 = vector.broadcast %mul3A_337 : f32 to vector<1000x128xf32>
    %mul3A_339 = arith.mulf %mul3A_338, %mul3A_307 : vector<1000x128xf32>
    %add3A_340 = arith.addf %add3A_300, %mul3A_339 : vector<1000x128xf32>
    %jit3A_341 = arith.constant 0.000000e+00 : f32
    %jit3A_342 = arith.constant 1.066000e+03 : f32
    %max3A_343 = vector.broadcast %jit3A_341 : f32 to vector<1000x128xf32>
    %max3A_344 = arith.maximumf %max3A_343, %add3A_340 : vector<1000x128xf32>
    %min3A_345 = vector.broadcast %jit3A_342 : f32 to vector<1000x128xf32>
    %min3A_346 = arith.minimumf %min3A_345, %max3A_344 : vector<1000x128xf32>
    %swap3A_347 = arith.constant 0 : index
    %swap3A_348 = arith.constant 0 : index
    %swap3A_349 = vector.load %arg14[%swap3A_347, %swap3A_348] : memref<1000x128xf32, #tpu.memory_space<vmem>>, vector<1000x128xf32>
    tpu.vector_store %arg14[%swap3A_347, %swap3A_348], %min3A_346 {strides = array<i32>} : memref<1000x128xf32, #tpu.memory_space<vmem>>, vector<1000x128xf32>,
    %mul3A_350 = arith.constant 5.000000e-01 : f32
    %mul3A_351 = vector.broadcast %mul3A_350 : f32 to vector<1000x128xf32>
    %mul3A_352 = arith.mulf %mul3A_351, %mul3A_310 : vector<1000x128xf32>
    %add3A_353 = arith.addf %add3A_304, %mul3A_352 : vector<1000x128xf32>
    %jit3A_354 = arith.constant 0.000000e+00 : f32
    %jit3A_355 = arith.constant 8.000000e+02 : f32
    %max3A_356 = vector.broadcast %jit3A_354 : f32 to vector<1000x128xf32>
    %max3A_357 = arith.maximumf %max3A_356, %add3A_353 : vector<1000x128xf32>
    %min3A_358 = vector.broadcast %jit3A_355 : f32 to vector<1000x128xf32>
    %min3A_359 = arith.minimumf %min3A_358, %max3A_357 : vector<1000x128xf32>
    %swap3A_360 = arith.constant 0 : index
    %swap3A_361 = arith.constant 0 : index
    %swap3A_362 = vector.load %arg15[%swap3A_360, %swap3A_361] : memref<1000x128xf32, #tpu.memory_space<vmem>>, vector<1000x128xf32>
    tpu.vector_store %arg15[%swap3A_360, %swap3A_361], %min3A_359 {strides = array<i32>} : memref<1000x128xf32, #tpu.memory_space<vmem>>, vector<1000x128xf32>,
    return
  }
}

module attributes {stable_mosaic.version = 14 : i64} {
  func.func @_nms_body(%arg0: memref<1024x4xf32, #tpu.memory_space<vmem>>, %arg1: memref<4x1024xf32, #tpu.memory_space<vmem>>, %arg2: memref<8x1024xf32, #tpu.memory_space<vmem>>, %arg3: memref<1024x1024xf32, #tpu.memory_space<vmem>>) attributes {dimension_semantics = [], scalar_prefetch = 0 : i64, scratch_operands = 1 : i64, tpu.core_type = #tpu.core_type<tc>} {
    %get3A = arith.constant 2 : index
    %get3A_0 = arith.constant 0 : index
    %get3A_1 = vector.load %arg1[%get3A, %get3A_0] : memref<4x1024xf32, #tpu.memory_space<vmem>>, vector<1x1024xf32>
    %get3A_2 = arith.constant 0 : index
    %get3A_3 = arith.constant 0 : index
    %get3A_4 = vector.load %arg1[%get3A_2, %get3A_3] : memref<4x1024xf32, #tpu.memory_space<vmem>>, vector<1x1024xf32>
    %sub3A = arith.subf %get3A_1, %get3A_4 : vector<1x1024xf32>
    %get3A_5 = arith.constant 3 : index
    %get3A_6 = arith.constant 0 : index
    %get3A_7 = vector.load %arg1[%get3A_5, %get3A_6] : memref<4x1024xf32, #tpu.memory_space<vmem>>, vector<1x1024xf32>
    %get3A_8 = arith.constant 1 : index
    %get3A_9 = arith.constant 0 : index
    %get3A_10 = vector.load %arg1[%get3A_8, %get3A_9] : memref<4x1024xf32, #tpu.memory_space<vmem>>, vector<1x1024xf32>
    %sub3A_11 = arith.subf %get3A_7, %get3A_10 : vector<1x1024xf32>
    %mul3A = arith.mulf %sub3A, %sub3A_11 : vector<1x1024xf32>
    %iota3A = tpu.iota {dimensions = array<i32: 1>} : vector<128x1024xi32>
    %get3A_12 = arith.constant 0 : index
    %get3A_13 = arith.constant 0 : index
    %get3A_14 = vector.load %arg0[%get3A_12, %get3A_13] : memref<1024x4xf32, #tpu.memory_space<vmem>>, vector<128x4xf32>
    %slice3A = vector.extract_strided_slice %get3A_14 {offsets = [0, 0], sizes = [128, 1], strides = [1, 1]} : vector<128x4xf32> to vector<128x1xf32>
    %slice3A_15 = vector.extract_strided_slice %get3A_14 {offsets = [0, 1], sizes = [128, 1], strides = [1, 1]} : vector<128x4xf32> to vector<128x1xf32>
    %slice3A_16 = vector.extract_strided_slice %get3A_14 {offsets = [0, 2], sizes = [128, 1], strides = [1, 1]} : vector<128x4xf32> to vector<128x1xf32>
    %slice3A_17 = vector.extract_strided_slice %get3A_14 {offsets = [0, 3], sizes = [128, 1], strides = [1, 1]} : vector<128x4xf32> to vector<128x1xf32>
    %sub3A_18 = arith.subf %slice3A_16, %slice3A : vector<128x1xf32>
    %sub3A_19 = arith.subf %slice3A_17, %slice3A_15 : vector<128x1xf32>
    %mul3A_20 = arith.mulf %sub3A_18, %sub3A_19 : vector<128x1xf32>
    %get3A_21 = arith.constant 2 : index
    %get3A_22 = arith.constant 0 : index
    %get3A_23 = vector.load %arg1[%get3A_21, %get3A_22] : memref<4x1024xf32, #tpu.memory_space<vmem>>, vector<1x1024xf32>
    %min3A = vector.broadcast %slice3A_16 : vector<128x1xf32> to vector<128x1024xf32>
    %min3A_24 = vector.broadcast %get3A_23 : vector<1x1024xf32> to vector<128x1024xf32>
    %min3A_25 = arith.minimumf %min3A, %min3A_24 : vector<128x1024xf32>
    %get3A_26 = arith.constant 0 : index
    %get3A_27 = arith.constant 0 : index
    %get3A_28 = vector.load %arg1[%get3A_26, %get3A_27] : memref<4x1024xf32, #tpu.memory_space<vmem>>, vector<1x1024xf32>
    %max3A = vector.broadcast %slice3A : vector<128x1xf32> to vector<128x1024xf32>
    %max3A_29 = vector.broadcast %get3A_28 : vector<1x1024xf32> to vector<128x1024xf32>
    %max3A_30 = arith.maximumf %max3A, %max3A_29 : vector<128x1024xf32>
    %sub3A_31 = arith.subf %min3A_25, %max3A_30 : vector<128x1024xf32>
    %max3A_32 = arith.constant 0.000000e+00 : f32
    %max3A_33 = vector.broadcast %max3A_32 : f32 to vector<128x1024xf32>
    %max3A_34 = arith.maximumf %sub3A_31, %max3A_33 : vector<128x1024xf32>
    %get3A_35 = arith.constant 3 : index
    %get3A_36 = arith.constant 0 : index
    %get3A_37 = vector.load %arg1[%get3A_35, %get3A_36] : memref<4x1024xf32, #tpu.memory_space<vmem>>, vector<1x1024xf32>
    %min3A_38 = vector.broadcast %slice3A_17 : vector<128x1xf32> to vector<128x1024xf32>
    %min3A_39 = vector.broadcast %get3A_37 : vector<1x1024xf32> to vector<128x1024xf32>
    %min3A_40 = arith.minimumf %min3A_38, %min3A_39 : vector<128x1024xf32>
    %get3A_41 = arith.constant 1 : index
    %get3A_42 = arith.constant 0 : index
    %get3A_43 = vector.load %arg1[%get3A_41, %get3A_42] : memref<4x1024xf32, #tpu.memory_space<vmem>>, vector<1x1024xf32>
    %max3A_44 = vector.broadcast %slice3A_15 : vector<128x1xf32> to vector<128x1024xf32>
    %max3A_45 = vector.broadcast %get3A_43 : vector<1x1024xf32> to vector<128x1024xf32>
    %max3A_46 = arith.maximumf %max3A_44, %max3A_45 : vector<128x1024xf32>
    %sub3A_47 = arith.subf %min3A_40, %max3A_46 : vector<128x1024xf32>
    %max3A_48 = arith.constant 0.000000e+00 : f32
    %max3A_49 = vector.broadcast %max3A_48 : f32 to vector<128x1024xf32>
    %max3A_50 = arith.maximumf %sub3A_47, %max3A_49 : vector<128x1024xf32>
    %mul3A_51 = arith.mulf %max3A_34, %max3A_50 : vector<128x1024xf32>
    %add3A = vector.broadcast %mul3A_20 : vector<128x1xf32> to vector<128x1024xf32>
    %add3A_52 = vector.broadcast %mul3A : vector<1x1024xf32> to vector<128x1024xf32>
    %add3A_53 = arith.addf %add3A, %add3A_52 : vector<128x1024xf32>
    %sub3A_54 = arith.subf %add3A_53, %mul3A_51 : vector<128x1024xf32>
    %max3A_55 = arith.constant 9.99999997E-7 : f32
    %max3A_56 = vector.broadcast %max3A_55 : f32 to vector<128x1024xf32>
    %max3A_57 = arith.maximumf %sub3A_54, %max3A_56 : vector<128x1024xf32>
    %div3A = arith.divf %mul3A_51, %max3A_57 : vector<128x1024xf32>
    %iota3A_58 = tpu.iota {dimensions = array<i32: 0>} : vector<128x1024xi32>
    %add3A_59 = arith.constant 0 : i32
    %add3A_60 = vector.broadcast %add3A_59 : i32 to vector<128x1024xi32>
    %add3A_61 = arith.addi %add3A_60, %iota3A_58 : vector<128x1024xi32>
    %gt3A = arith.constant 6.000000e-01 : f32
    %gt3A_62 = vector.broadcast %gt3A : f32 to vector<128x1024xf32>
    %gt3A_63 = arith.cmpf ogt, %div3A, %gt3A_62 : vector<128x1024xf32>
    %gt3A_64 = arith.cmpi sgt, %iota3A, %add3A_61 : vector<128x1024xi32>
    %and3A = arith.andi %gt3A_63, %gt3A_64 : vector<128x1024xi1>
    %jit3A = arith.constant 1.000000e+00 : f32
    %jit3A_65 = arith.constant 0.000000e+00 : f32
    %broadcast_in_dim3A = vector.broadcast %jit3A : f32 to vector<128x1024xf32>
    %broadcast_in_dim3A_66 = vector.broadcast %jit3A_65 : f32 to vector<128x1024xf32>
    %select_n3A = arith.select %and3A, %broadcast_in_dim3A, %broadcast_in_dim3A_66 : vector<128x1024xi1>, vector<128x1024xf32>
    %swap3A = arith.constant 0 : index
    %swap3A_67 = arith.constant 0 : index
    %swap3A_68 = vector.load %arg3[%swap3A, %swap3A_67] : memref<1024x1024xf32, #tpu.memory_space<vmem>>, vector<128x1024xf32>
    tpu.vector_store %arg3[%swap3A, %swap3A_67], %select_n3A {strides = array<i32>} : memref<1024x1024xf32, #tpu.memory_space<vmem>>, vector<128x1024xf32>,
    %get3A_69 = arith.constant 128 : index
    %get3A_70 = arith.constant 0 : index
    %get3A_71 = vector.load %arg0[%get3A_69, %get3A_70] : memref<1024x4xf32, #tpu.memory_space<vmem>>, vector<128x4xf32>
    %slice3A_72 = vector.extract_strided_slice %get3A_71 {offsets = [0, 0], sizes = [128, 1], strides = [1, 1]} : vector<128x4xf32> to vector<128x1xf32>
    %slice3A_73 = vector.extract_strided_slice %get3A_71 {offsets = [0, 1], sizes = [128, 1], strides = [1, 1]} : vector<128x4xf32> to vector<128x1xf32>
    %slice3A_74 = vector.extract_strided_slice %get3A_71 {offsets = [0, 2], sizes = [128, 1], strides = [1, 1]} : vector<128x4xf32> to vector<128x1xf32>
    %slice3A_75 = vector.extract_strided_slice %get3A_71 {offsets = [0, 3], sizes = [128, 1], strides = [1, 1]} : vector<128x4xf32> to vector<128x1xf32>
    %sub3A_76 = arith.subf %slice3A_74, %slice3A_72 : vector<128x1xf32>
    %sub3A_77 = arith.subf %slice3A_75, %slice3A_73 : vector<128x1xf32>
    %mul3A_78 = arith.mulf %sub3A_76, %sub3A_77 : vector<128x1xf32>
    %get3A_79 = arith.constant 2 : index
    %get3A_80 = arith.constant 0 : index
    %get3A_81 = vector.load %arg1[%get3A_79, %get3A_80] : memref<4x1024xf32, #tpu.memory_space<vmem>>, vector<1x1024xf32>
    %min3A_82 = vector.broadcast %slice3A_74 : vector<128x1xf32> to vector<128x1024xf32>
    %min3A_83 = vector.broadcast %get3A_81 : vector<1x1024xf32> to vector<128x1024xf32>
    %min3A_84 = arith.minimumf %min3A_82, %min3A_83 : vector<128x1024xf32>
    %get3A_85 = arith.constant 0 : index
    %get3A_86 = arith.constant 0 : index
    %get3A_87 = vector.load %arg1[%get3A_85, %get3A_86] : memref<4x1024xf32, #tpu.memory_space<vmem>>, vector<1x1024xf32>
    %max3A_88 = vector.broadcast %slice3A_72 : vector<128x1xf32> to vector<128x1024xf32>
    %max3A_89 = vector.broadcast %get3A_87 : vector<1x1024xf32> to vector<128x1024xf32>
    %max3A_90 = arith.maximumf %max3A_88, %max3A_89 : vector<128x1024xf32>
    %sub3A_91 = arith.subf %min3A_84, %max3A_90 : vector<128x1024xf32>
    %max3A_92 = arith.constant 0.000000e+00 : f32
    %max3A_93 = vector.broadcast %max3A_92 : f32 to vector<128x1024xf32>
    %max3A_94 = arith.maximumf %sub3A_91, %max3A_93 : vector<128x1024xf32>
    %get3A_95 = arith.constant 3 : index
    %get3A_96 = arith.constant 0 : index
    %get3A_97 = vector.load %arg1[%get3A_95, %get3A_96] : memref<4x1024xf32, #tpu.memory_space<vmem>>, vector<1x1024xf32>
    %min3A_98 = vector.broadcast %slice3A_75 : vector<128x1xf32> to vector<128x1024xf32>
    %min3A_99 = vector.broadcast %get3A_97 : vector<1x1024xf32> to vector<128x1024xf32>
    %min3A_100 = arith.minimumf %min3A_98, %min3A_99 : vector<128x1024xf32>
    %get3A_101 = arith.constant 1 : index
    %get3A_102 = arith.constant 0 : index
    %get3A_103 = vector.load %arg1[%get3A_101, %get3A_102] : memref<4x1024xf32, #tpu.memory_space<vmem>>, vector<1x1024xf32>
    %max3A_104 = vector.broadcast %slice3A_73 : vector<128x1xf32> to vector<128x1024xf32>
    %max3A_105 = vector.broadcast %get3A_103 : vector<1x1024xf32> to vector<128x1024xf32>
    %max3A_106 = arith.maximumf %max3A_104, %max3A_105 : vector<128x1024xf32>
    %sub3A_107 = arith.subf %min3A_100, %max3A_106 : vector<128x1024xf32>
    %max3A_108 = arith.constant 0.000000e+00 : f32
    %max3A_109 = vector.broadcast %max3A_108 : f32 to vector<128x1024xf32>
    %max3A_110 = arith.maximumf %sub3A_107, %max3A_109 : vector<128x1024xf32>
    %mul3A_111 = arith.mulf %max3A_94, %max3A_110 : vector<128x1024xf32>
    %add3A_112 = vector.broadcast %mul3A_78 : vector<128x1xf32> to vector<128x1024xf32>
    %add3A_113 = vector.broadcast %mul3A : vector<1x1024xf32> to vector<128x1024xf32>
    %add3A_114 = arith.addf %add3A_112, %add3A_113 : vector<128x1024xf32>
    %sub3A_115 = arith.subf %add3A_114, %mul3A_111 : vector<128x1024xf32>
    %max3A_116 = arith.constant 9.99999997E-7 : f32
    %max3A_117 = vector.broadcast %max3A_116 : f32 to vector<128x1024xf32>
    %max3A_118 = arith.maximumf %sub3A_115, %max3A_117 : vector<128x1024xf32>
    %div3A_119 = arith.divf %mul3A_111, %max3A_118 : vector<128x1024xf32>
    %iota3A_120 = tpu.iota {dimensions = array<i32: 0>} : vector<128x1024xi32>
    %add3A_121 = arith.constant 128 : i32
    %add3A_122 = vector.broadcast %add3A_121 : i32 to vector<128x1024xi32>
    %add3A_123 = arith.addi %add3A_122, %iota3A_120 : vector<128x1024xi32>
    %gt3A_124 = arith.constant 6.000000e-01 : f32
    %gt3A_125 = vector.broadcast %gt3A_124 : f32 to vector<128x1024xf32>
    %gt3A_126 = arith.cmpf ogt, %div3A_119, %gt3A_125 : vector<128x1024xf32>
    %gt3A_127 = arith.cmpi sgt, %iota3A, %add3A_123 : vector<128x1024xi32>
    %and3A_128 = arith.andi %gt3A_126, %gt3A_127 : vector<128x1024xi1>
    %jit3A_129 = arith.constant 1.000000e+00 : f32
    %jit3A_130 = arith.constant 0.000000e+00 : f32
    %broadcast_in_dim3A_131 = vector.broadcast %jit3A_129 : f32 to vector<128x1024xf32>
    %broadcast_in_dim3A_132 = vector.broadcast %jit3A_130 : f32 to vector<128x1024xf32>
    %select_n3A_133 = arith.select %and3A_128, %broadcast_in_dim3A_131, %broadcast_in_dim3A_132 : vector<128x1024xi1>, vector<128x1024xf32>
    %swap3A_134 = arith.constant 128 : index
    %swap3A_135 = arith.constant 0 : index
    %swap3A_136 = vector.load %arg3[%swap3A_134, %swap3A_135] : memref<1024x1024xf32, #tpu.memory_space<vmem>>, vector<128x1024xf32>
    tpu.vector_store %arg3[%swap3A_134, %swap3A_135], %select_n3A_133 {strides = array<i32>} : memref<1024x1024xf32, #tpu.memory_space<vmem>>, vector<128x1024xf32>,
    %get3A_137 = arith.constant 256 : index
    %get3A_138 = arith.constant 0 : index
    %get3A_139 = vector.load %arg0[%get3A_137, %get3A_138] : memref<1024x4xf32, #tpu.memory_space<vmem>>, vector<128x4xf32>
    %slice3A_140 = vector.extract_strided_slice %get3A_139 {offsets = [0, 0], sizes = [128, 1], strides = [1, 1]} : vector<128x4xf32> to vector<128x1xf32>
    %slice3A_141 = vector.extract_strided_slice %get3A_139 {offsets = [0, 1], sizes = [128, 1], strides = [1, 1]} : vector<128x4xf32> to vector<128x1xf32>
    %slice3A_142 = vector.extract_strided_slice %get3A_139 {offsets = [0, 2], sizes = [128, 1], strides = [1, 1]} : vector<128x4xf32> to vector<128x1xf32>
    %slice3A_143 = vector.extract_strided_slice %get3A_139 {offsets = [0, 3], sizes = [128, 1], strides = [1, 1]} : vector<128x4xf32> to vector<128x1xf32>
    %sub3A_144 = arith.subf %slice3A_142, %slice3A_140 : vector<128x1xf32>
    %sub3A_145 = arith.subf %slice3A_143, %slice3A_141 : vector<128x1xf32>
    %mul3A_146 = arith.mulf %sub3A_144, %sub3A_145 : vector<128x1xf32>
    %get3A_147 = arith.constant 2 : index
    %get3A_148 = arith.constant 0 : index
    %get3A_149 = vector.load %arg1[%get3A_147, %get3A_148] : memref<4x1024xf32, #tpu.memory_space<vmem>>, vector<1x1024xf32>
    %min3A_150 = vector.broadcast %slice3A_142 : vector<128x1xf32> to vector<128x1024xf32>
    %min3A_151 = vector.broadcast %get3A_149 : vector<1x1024xf32> to vector<128x1024xf32>
    %min3A_152 = arith.minimumf %min3A_150, %min3A_151 : vector<128x1024xf32>
    %get3A_153 = arith.constant 0 : index
    %get3A_154 = arith.constant 0 : index
    %get3A_155 = vector.load %arg1[%get3A_153, %get3A_154] : memref<4x1024xf32, #tpu.memory_space<vmem>>, vector<1x1024xf32>
    %max3A_156 = vector.broadcast %slice3A_140 : vector<128x1xf32> to vector<128x1024xf32>
    %max3A_157 = vector.broadcast %get3A_155 : vector<1x1024xf32> to vector<128x1024xf32>
    %max3A_158 = arith.maximumf %max3A_156, %max3A_157 : vector<128x1024xf32>
    %sub3A_159 = arith.subf %min3A_152, %max3A_158 : vector<128x1024xf32>
    %max3A_160 = arith.constant 0.000000e+00 : f32
    %max3A_161 = vector.broadcast %max3A_160 : f32 to vector<128x1024xf32>
    %max3A_162 = arith.maximumf %sub3A_159, %max3A_161 : vector<128x1024xf32>
    %get3A_163 = arith.constant 3 : index
    %get3A_164 = arith.constant 0 : index
    %get3A_165 = vector.load %arg1[%get3A_163, %get3A_164] : memref<4x1024xf32, #tpu.memory_space<vmem>>, vector<1x1024xf32>
    %min3A_166 = vector.broadcast %slice3A_143 : vector<128x1xf32> to vector<128x1024xf32>
    %min3A_167 = vector.broadcast %get3A_165 : vector<1x1024xf32> to vector<128x1024xf32>
    %min3A_168 = arith.minimumf %min3A_166, %min3A_167 : vector<128x1024xf32>
    %get3A_169 = arith.constant 1 : index
    %get3A_170 = arith.constant 0 : index
    %get3A_171 = vector.load %arg1[%get3A_169, %get3A_170] : memref<4x1024xf32, #tpu.memory_space<vmem>>, vector<1x1024xf32>
    %max3A_172 = vector.broadcast %slice3A_141 : vector<128x1xf32> to vector<128x1024xf32>
    %max3A_173 = vector.broadcast %get3A_171 : vector<1x1024xf32> to vector<128x1024xf32>
    %max3A_174 = arith.maximumf %max3A_172, %max3A_173 : vector<128x1024xf32>
    %sub3A_175 = arith.subf %min3A_168, %max3A_174 : vector<128x1024xf32>
    %max3A_176 = arith.constant 0.000000e+00 : f32
    %max3A_177 = vector.broadcast %max3A_176 : f32 to vector<128x1024xf32>
    %max3A_178 = arith.maximumf %sub3A_175, %max3A_177 : vector<128x1024xf32>
    %mul3A_179 = arith.mulf %max3A_162, %max3A_178 : vector<128x1024xf32>
    %add3A_180 = vector.broadcast %mul3A_146 : vector<128x1xf32> to vector<128x1024xf32>
    %add3A_181 = vector.broadcast %mul3A : vector<1x1024xf32> to vector<128x1024xf32>
    %add3A_182 = arith.addf %add3A_180, %add3A_181 : vector<128x1024xf32>
    %sub3A_183 = arith.subf %add3A_182, %mul3A_179 : vector<128x1024xf32>
    %max3A_184 = arith.constant 9.99999997E-7 : f32
    %max3A_185 = vector.broadcast %max3A_184 : f32 to vector<128x1024xf32>
    %max3A_186 = arith.maximumf %sub3A_183, %max3A_185 : vector<128x1024xf32>
    %div3A_187 = arith.divf %mul3A_179, %max3A_186 : vector<128x1024xf32>
    %iota3A_188 = tpu.iota {dimensions = array<i32: 0>} : vector<128x1024xi32>
    %add3A_189 = arith.constant 256 : i32
    %add3A_190 = vector.broadcast %add3A_189 : i32 to vector<128x1024xi32>
    %add3A_191 = arith.addi %add3A_190, %iota3A_188 : vector<128x1024xi32>
    %gt3A_192 = arith.constant 6.000000e-01 : f32
    %gt3A_193 = vector.broadcast %gt3A_192 : f32 to vector<128x1024xf32>
    %gt3A_194 = arith.cmpf ogt, %div3A_187, %gt3A_193 : vector<128x1024xf32>
    %gt3A_195 = arith.cmpi sgt, %iota3A, %add3A_191 : vector<128x1024xi32>
    %and3A_196 = arith.andi %gt3A_194, %gt3A_195 : vector<128x1024xi1>
    %jit3A_197 = arith.constant 1.000000e+00 : f32
    %jit3A_198 = arith.constant 0.000000e+00 : f32
    %broadcast_in_dim3A_199 = vector.broadcast %jit3A_197 : f32 to vector<128x1024xf32>
    %broadcast_in_dim3A_200 = vector.broadcast %jit3A_198 : f32 to vector<128x1024xf32>
    %select_n3A_201 = arith.select %and3A_196, %broadcast_in_dim3A_199, %broadcast_in_dim3A_200 : vector<128x1024xi1>, vector<128x1024xf32>
    %swap3A_202 = arith.constant 256 : index
    %swap3A_203 = arith.constant 0 : index
    %swap3A_204 = vector.load %arg3[%swap3A_202, %swap3A_203] : memref<1024x1024xf32, #tpu.memory_space<vmem>>, vector<128x1024xf32>
    tpu.vector_store %arg3[%swap3A_202, %swap3A_203], %select_n3A_201 {strides = array<i32>} : memref<1024x1024xf32, #tpu.memory_space<vmem>>, vector<128x1024xf32>,
    %get3A_205 = arith.constant 384 : index
    %get3A_206 = arith.constant 0 : index
    %get3A_207 = vector.load %arg0[%get3A_205, %get3A_206] : memref<1024x4xf32, #tpu.memory_space<vmem>>, vector<128x4xf32>
    %slice3A_208 = vector.extract_strided_slice %get3A_207 {offsets = [0, 0], sizes = [128, 1], strides = [1, 1]} : vector<128x4xf32> to vector<128x1xf32>
    %slice3A_209 = vector.extract_strided_slice %get3A_207 {offsets = [0, 1], sizes = [128, 1], strides = [1, 1]} : vector<128x4xf32> to vector<128x1xf32>
    %slice3A_210 = vector.extract_strided_slice %get3A_207 {offsets = [0, 2], sizes = [128, 1], strides = [1, 1]} : vector<128x4xf32> to vector<128x1xf32>
    %slice3A_211 = vector.extract_strided_slice %get3A_207 {offsets = [0, 3], sizes = [128, 1], strides = [1, 1]} : vector<128x4xf32> to vector<128x1xf32>
    %sub3A_212 = arith.subf %slice3A_210, %slice3A_208 : vector<128x1xf32>
    %sub3A_213 = arith.subf %slice3A_211, %slice3A_209 : vector<128x1xf32>
    %mul3A_214 = arith.mulf %sub3A_212, %sub3A_213 : vector<128x1xf32>
    %get3A_215 = arith.constant 2 : index
    %get3A_216 = arith.constant 0 : index
    %get3A_217 = vector.load %arg1[%get3A_215, %get3A_216] : memref<4x1024xf32, #tpu.memory_space<vmem>>, vector<1x1024xf32>
    %min3A_218 = vector.broadcast %slice3A_210 : vector<128x1xf32> to vector<128x1024xf32>
    %min3A_219 = vector.broadcast %get3A_217 : vector<1x1024xf32> to vector<128x1024xf32>
    %min3A_220 = arith.minimumf %min3A_218, %min3A_219 : vector<128x1024xf32>
    %get3A_221 = arith.constant 0 : index
    %get3A_222 = arith.constant 0 : index
    %get3A_223 = vector.load %arg1[%get3A_221, %get3A_222] : memref<4x1024xf32, #tpu.memory_space<vmem>>, vector<1x1024xf32>
    %max3A_224 = vector.broadcast %slice3A_208 : vector<128x1xf32> to vector<128x1024xf32>
    %max3A_225 = vector.broadcast %get3A_223 : vector<1x1024xf32> to vector<128x1024xf32>
    %max3A_226 = arith.maximumf %max3A_224, %max3A_225 : vector<128x1024xf32>
    %sub3A_227 = arith.subf %min3A_220, %max3A_226 : vector<128x1024xf32>
    %max3A_228 = arith.constant 0.000000e+00 : f32
    %max3A_229 = vector.broadcast %max3A_228 : f32 to vector<128x1024xf32>
    %max3A_230 = arith.maximumf %sub3A_227, %max3A_229 : vector<128x1024xf32>
    %get3A_231 = arith.constant 3 : index
    %get3A_232 = arith.constant 0 : index
    %get3A_233 = vector.load %arg1[%get3A_231, %get3A_232] : memref<4x1024xf32, #tpu.memory_space<vmem>>, vector<1x1024xf32>
    %min3A_234 = vector.broadcast %slice3A_211 : vector<128x1xf32> to vector<128x1024xf32>
    %min3A_235 = vector.broadcast %get3A_233 : vector<1x1024xf32> to vector<128x1024xf32>
    %min3A_236 = arith.minimumf %min3A_234, %min3A_235 : vector<128x1024xf32>
    %get3A_237 = arith.constant 1 : index
    %get3A_238 = arith.constant 0 : index
    %get3A_239 = vector.load %arg1[%get3A_237, %get3A_238] : memref<4x1024xf32, #tpu.memory_space<vmem>>, vector<1x1024xf32>
    %max3A_240 = vector.broadcast %slice3A_209 : vector<128x1xf32> to vector<128x1024xf32>
    %max3A_241 = vector.broadcast %get3A_239 : vector<1x1024xf32> to vector<128x1024xf32>
    %max3A_242 = arith.maximumf %max3A_240, %max3A_241 : vector<128x1024xf32>
    %sub3A_243 = arith.subf %min3A_236, %max3A_242 : vector<128x1024xf32>
    %max3A_244 = arith.constant 0.000000e+00 : f32
    %max3A_245 = vector.broadcast %max3A_244 : f32 to vector<128x1024xf32>
    %max3A_246 = arith.maximumf %sub3A_243, %max3A_245 : vector<128x1024xf32>
    %mul3A_247 = arith.mulf %max3A_230, %max3A_246 : vector<128x1024xf32>
    %add3A_248 = vector.broadcast %mul3A_214 : vector<128x1xf32> to vector<128x1024xf32>
    %add3A_249 = vector.broadcast %mul3A : vector<1x1024xf32> to vector<128x1024xf32>
    %add3A_250 = arith.addf %add3A_248, %add3A_249 : vector<128x1024xf32>
    %sub3A_251 = arith.subf %add3A_250, %mul3A_247 : vector<128x1024xf32>
    %max3A_252 = arith.constant 9.99999997E-7 : f32
    %max3A_253 = vector.broadcast %max3A_252 : f32 to vector<128x1024xf32>
    %max3A_254 = arith.maximumf %sub3A_251, %max3A_253 : vector<128x1024xf32>
    %div3A_255 = arith.divf %mul3A_247, %max3A_254 : vector<128x1024xf32>
    %iota3A_256 = tpu.iota {dimensions = array<i32: 0>} : vector<128x1024xi32>
    %add3A_257 = arith.constant 384 : i32
    %add3A_258 = vector.broadcast %add3A_257 : i32 to vector<128x1024xi32>
    %add3A_259 = arith.addi %add3A_258, %iota3A_256 : vector<128x1024xi32>
    %gt3A_260 = arith.constant 6.000000e-01 : f32
    %gt3A_261 = vector.broadcast %gt3A_260 : f32 to vector<128x1024xf32>
    %gt3A_262 = arith.cmpf ogt, %div3A_255, %gt3A_261 : vector<128x1024xf32>
    %gt3A_263 = arith.cmpi sgt, %iota3A, %add3A_259 : vector<128x1024xi32>
    %and3A_264 = arith.andi %gt3A_262, %gt3A_263 : vector<128x1024xi1>
    %jit3A_265 = arith.constant 1.000000e+00 : f32
    %jit3A_266 = arith.constant 0.000000e+00 : f32
    %broadcast_in_dim3A_267 = vector.broadcast %jit3A_265 : f32 to vector<128x1024xf32>
    %broadcast_in_dim3A_268 = vector.broadcast %jit3A_266 : f32 to vector<128x1024xf32>
    %select_n3A_269 = arith.select %and3A_264, %broadcast_in_dim3A_267, %broadcast_in_dim3A_268 : vector<128x1024xi1>, vector<128x1024xf32>
    %swap3A_270 = arith.constant 384 : index
    %swap3A_271 = arith.constant 0 : index
    %swap3A_272 = vector.load %arg3[%swap3A_270, %swap3A_271] : memref<1024x1024xf32, #tpu.memory_space<vmem>>, vector<128x1024xf32>
    tpu.vector_store %arg3[%swap3A_270, %swap3A_271], %select_n3A_269 {strides = array<i32>} : memref<1024x1024xf32, #tpu.memory_space<vmem>>, vector<128x1024xf32>,
    %get3A_273 = arith.constant 512 : index
    %get3A_274 = arith.constant 0 : index
    %get3A_275 = vector.load %arg0[%get3A_273, %get3A_274] : memref<1024x4xf32, #tpu.memory_space<vmem>>, vector<128x4xf32>
    %slice3A_276 = vector.extract_strided_slice %get3A_275 {offsets = [0, 0], sizes = [128, 1], strides = [1, 1]} : vector<128x4xf32> to vector<128x1xf32>
    %slice3A_277 = vector.extract_strided_slice %get3A_275 {offsets = [0, 1], sizes = [128, 1], strides = [1, 1]} : vector<128x4xf32> to vector<128x1xf32>
    %slice3A_278 = vector.extract_strided_slice %get3A_275 {offsets = [0, 2], sizes = [128, 1], strides = [1, 1]} : vector<128x4xf32> to vector<128x1xf32>
    %slice3A_279 = vector.extract_strided_slice %get3A_275 {offsets = [0, 3], sizes = [128, 1], strides = [1, 1]} : vector<128x4xf32> to vector<128x1xf32>
    %sub3A_280 = arith.subf %slice3A_278, %slice3A_276 : vector<128x1xf32>
    %sub3A_281 = arith.subf %slice3A_279, %slice3A_277 : vector<128x1xf32>
    %mul3A_282 = arith.mulf %sub3A_280, %sub3A_281 : vector<128x1xf32>
    %get3A_283 = arith.constant 2 : index
    %get3A_284 = arith.constant 0 : index
    %get3A_285 = vector.load %arg1[%get3A_283, %get3A_284] : memref<4x1024xf32, #tpu.memory_space<vmem>>, vector<1x1024xf32>
    %min3A_286 = vector.broadcast %slice3A_278 : vector<128x1xf32> to vector<128x1024xf32>
    %min3A_287 = vector.broadcast %get3A_285 : vector<1x1024xf32> to vector<128x1024xf32>
    %min3A_288 = arith.minimumf %min3A_286, %min3A_287 : vector<128x1024xf32>
    %get3A_289 = arith.constant 0 : index
    %get3A_290 = arith.constant 0 : index
    %get3A_291 = vector.load %arg1[%get3A_289, %get3A_290] : memref<4x1024xf32, #tpu.memory_space<vmem>>, vector<1x1024xf32>
    %max3A_292 = vector.broadcast %slice3A_276 : vector<128x1xf32> to vector<128x1024xf32>
    %max3A_293 = vector.broadcast %get3A_291 : vector<1x1024xf32> to vector<128x1024xf32>
    %max3A_294 = arith.maximumf %max3A_292, %max3A_293 : vector<128x1024xf32>
    %sub3A_295 = arith.subf %min3A_288, %max3A_294 : vector<128x1024xf32>
    %max3A_296 = arith.constant 0.000000e+00 : f32
    %max3A_297 = vector.broadcast %max3A_296 : f32 to vector<128x1024xf32>
    %max3A_298 = arith.maximumf %sub3A_295, %max3A_297 : vector<128x1024xf32>
    %get3A_299 = arith.constant 3 : index
    %get3A_300 = arith.constant 0 : index
    %get3A_301 = vector.load %arg1[%get3A_299, %get3A_300] : memref<4x1024xf32, #tpu.memory_space<vmem>>, vector<1x1024xf32>
    %min3A_302 = vector.broadcast %slice3A_279 : vector<128x1xf32> to vector<128x1024xf32>
    %min3A_303 = vector.broadcast %get3A_301 : vector<1x1024xf32> to vector<128x1024xf32>
    %min3A_304 = arith.minimumf %min3A_302, %min3A_303 : vector<128x1024xf32>
    %get3A_305 = arith.constant 1 : index
    %get3A_306 = arith.constant 0 : index
    %get3A_307 = vector.load %arg1[%get3A_305, %get3A_306] : memref<4x1024xf32, #tpu.memory_space<vmem>>, vector<1x1024xf32>
    %max3A_308 = vector.broadcast %slice3A_277 : vector<128x1xf32> to vector<128x1024xf32>
    %max3A_309 = vector.broadcast %get3A_307 : vector<1x1024xf32> to vector<128x1024xf32>
    %max3A_310 = arith.maximumf %max3A_308, %max3A_309 : vector<128x1024xf32>
    %sub3A_311 = arith.subf %min3A_304, %max3A_310 : vector<128x1024xf32>
    %max3A_312 = arith.constant 0.000000e+00 : f32
    %max3A_313 = vector.broadcast %max3A_312 : f32 to vector<128x1024xf32>
    %max3A_314 = arith.maximumf %sub3A_311, %max3A_313 : vector<128x1024xf32>
    %mul3A_315 = arith.mulf %max3A_298, %max3A_314 : vector<128x1024xf32>
    %add3A_316 = vector.broadcast %mul3A_282 : vector<128x1xf32> to vector<128x1024xf32>
    %add3A_317 = vector.broadcast %mul3A : vector<1x1024xf32> to vector<128x1024xf32>
    %add3A_318 = arith.addf %add3A_316, %add3A_317 : vector<128x1024xf32>
    %sub3A_319 = arith.subf %add3A_318, %mul3A_315 : vector<128x1024xf32>
    %max3A_320 = arith.constant 9.99999997E-7 : f32
    %max3A_321 = vector.broadcast %max3A_320 : f32 to vector<128x1024xf32>
    %max3A_322 = arith.maximumf %sub3A_319, %max3A_321 : vector<128x1024xf32>
    %div3A_323 = arith.divf %mul3A_315, %max3A_322 : vector<128x1024xf32>
    %iota3A_324 = tpu.iota {dimensions = array<i32: 0>} : vector<128x1024xi32>
    %add3A_325 = arith.constant 512 : i32
    %add3A_326 = vector.broadcast %add3A_325 : i32 to vector<128x1024xi32>
    %add3A_327 = arith.addi %add3A_326, %iota3A_324 : vector<128x1024xi32>
    %gt3A_328 = arith.constant 6.000000e-01 : f32
    %gt3A_329 = vector.broadcast %gt3A_328 : f32 to vector<128x1024xf32>
    %gt3A_330 = arith.cmpf ogt, %div3A_323, %gt3A_329 : vector<128x1024xf32>
    %gt3A_331 = arith.cmpi sgt, %iota3A, %add3A_327 : vector<128x1024xi32>
    %and3A_332 = arith.andi %gt3A_330, %gt3A_331 : vector<128x1024xi1>
    %jit3A_333 = arith.constant 1.000000e+00 : f32
    %jit3A_334 = arith.constant 0.000000e+00 : f32
    %broadcast_in_dim3A_335 = vector.broadcast %jit3A_333 : f32 to vector<128x1024xf32>
    %broadcast_in_dim3A_336 = vector.broadcast %jit3A_334 : f32 to vector<128x1024xf32>
    %select_n3A_337 = arith.select %and3A_332, %broadcast_in_dim3A_335, %broadcast_in_dim3A_336 : vector<128x1024xi1>, vector<128x1024xf32>
    %swap3A_338 = arith.constant 512 : index
    %swap3A_339 = arith.constant 0 : index
    %swap3A_340 = vector.load %arg3[%swap3A_338, %swap3A_339] : memref<1024x1024xf32, #tpu.memory_space<vmem>>, vector<128x1024xf32>
    tpu.vector_store %arg3[%swap3A_338, %swap3A_339], %select_n3A_337 {strides = array<i32>} : memref<1024x1024xf32, #tpu.memory_space<vmem>>, vector<128x1024xf32>,
    %get3A_341 = arith.constant 640 : index
    %get3A_342 = arith.constant 0 : index
    %get3A_343 = vector.load %arg0[%get3A_341, %get3A_342] : memref<1024x4xf32, #tpu.memory_space<vmem>>, vector<128x4xf32>
    %slice3A_344 = vector.extract_strided_slice %get3A_343 {offsets = [0, 0], sizes = [128, 1], strides = [1, 1]} : vector<128x4xf32> to vector<128x1xf32>
    %slice3A_345 = vector.extract_strided_slice %get3A_343 {offsets = [0, 1], sizes = [128, 1], strides = [1, 1]} : vector<128x4xf32> to vector<128x1xf32>
    %slice3A_346 = vector.extract_strided_slice %get3A_343 {offsets = [0, 2], sizes = [128, 1], strides = [1, 1]} : vector<128x4xf32> to vector<128x1xf32>
    %slice3A_347 = vector.extract_strided_slice %get3A_343 {offsets = [0, 3], sizes = [128, 1], strides = [1, 1]} : vector<128x4xf32> to vector<128x1xf32>
    %sub3A_348 = arith.subf %slice3A_346, %slice3A_344 : vector<128x1xf32>
    %sub3A_349 = arith.subf %slice3A_347, %slice3A_345 : vector<128x1xf32>
    %mul3A_350 = arith.mulf %sub3A_348, %sub3A_349 : vector<128x1xf32>
    %get3A_351 = arith.constant 2 : index
    %get3A_352 = arith.constant 0 : index
    %get3A_353 = vector.load %arg1[%get3A_351, %get3A_352] : memref<4x1024xf32, #tpu.memory_space<vmem>>, vector<1x1024xf32>
    %min3A_354 = vector.broadcast %slice3A_346 : vector<128x1xf32> to vector<128x1024xf32>
    %min3A_355 = vector.broadcast %get3A_353 : vector<1x1024xf32> to vector<128x1024xf32>
    %min3A_356 = arith.minimumf %min3A_354, %min3A_355 : vector<128x1024xf32>
    %get3A_357 = arith.constant 0 : index
    %get3A_358 = arith.constant 0 : index
    %get3A_359 = vector.load %arg1[%get3A_357, %get3A_358] : memref<4x1024xf32, #tpu.memory_space<vmem>>, vector<1x1024xf32>
    %max3A_360 = vector.broadcast %slice3A_344 : vector<128x1xf32> to vector<128x1024xf32>
    %max3A_361 = vector.broadcast %get3A_359 : vector<1x1024xf32> to vector<128x1024xf32>
    %max3A_362 = arith.maximumf %max3A_360, %max3A_361 : vector<128x1024xf32>
    %sub3A_363 = arith.subf %min3A_356, %max3A_362 : vector<128x1024xf32>
    %max3A_364 = arith.constant 0.000000e+00 : f32
    %max3A_365 = vector.broadcast %max3A_364 : f32 to vector<128x1024xf32>
    %max3A_366 = arith.maximumf %sub3A_363, %max3A_365 : vector<128x1024xf32>
    %get3A_367 = arith.constant 3 : index
    %get3A_368 = arith.constant 0 : index
    %get3A_369 = vector.load %arg1[%get3A_367, %get3A_368] : memref<4x1024xf32, #tpu.memory_space<vmem>>, vector<1x1024xf32>
    %min3A_370 = vector.broadcast %slice3A_347 : vector<128x1xf32> to vector<128x1024xf32>
    %min3A_371 = vector.broadcast %get3A_369 : vector<1x1024xf32> to vector<128x1024xf32>
    %min3A_372 = arith.minimumf %min3A_370, %min3A_371 : vector<128x1024xf32>
    %get3A_373 = arith.constant 1 : index
    %get3A_374 = arith.constant 0 : index
    %get3A_375 = vector.load %arg1[%get3A_373, %get3A_374] : memref<4x1024xf32, #tpu.memory_space<vmem>>, vector<1x1024xf32>
    %max3A_376 = vector.broadcast %slice3A_345 : vector<128x1xf32> to vector<128x1024xf32>
    %max3A_377 = vector.broadcast %get3A_375 : vector<1x1024xf32> to vector<128x1024xf32>
    %max3A_378 = arith.maximumf %max3A_376, %max3A_377 : vector<128x1024xf32>
    %sub3A_379 = arith.subf %min3A_372, %max3A_378 : vector<128x1024xf32>
    %max3A_380 = arith.constant 0.000000e+00 : f32
    %max3A_381 = vector.broadcast %max3A_380 : f32 to vector<128x1024xf32>
    %max3A_382 = arith.maximumf %sub3A_379, %max3A_381 : vector<128x1024xf32>
    %mul3A_383 = arith.mulf %max3A_366, %max3A_382 : vector<128x1024xf32>
    %add3A_384 = vector.broadcast %mul3A_350 : vector<128x1xf32> to vector<128x1024xf32>
    %add3A_385 = vector.broadcast %mul3A : vector<1x1024xf32> to vector<128x1024xf32>
    %add3A_386 = arith.addf %add3A_384, %add3A_385 : vector<128x1024xf32>
    %sub3A_387 = arith.subf %add3A_386, %mul3A_383 : vector<128x1024xf32>
    %max3A_388 = arith.constant 9.99999997E-7 : f32
    %max3A_389 = vector.broadcast %max3A_388 : f32 to vector<128x1024xf32>
    %max3A_390 = arith.maximumf %sub3A_387, %max3A_389 : vector<128x1024xf32>
    %div3A_391 = arith.divf %mul3A_383, %max3A_390 : vector<128x1024xf32>
    %iota3A_392 = tpu.iota {dimensions = array<i32: 0>} : vector<128x1024xi32>
    %add3A_393 = arith.constant 640 : i32
    %add3A_394 = vector.broadcast %add3A_393 : i32 to vector<128x1024xi32>
    %add3A_395 = arith.addi %add3A_394, %iota3A_392 : vector<128x1024xi32>
    %gt3A_396 = arith.constant 6.000000e-01 : f32
    %gt3A_397 = vector.broadcast %gt3A_396 : f32 to vector<128x1024xf32>
    %gt3A_398 = arith.cmpf ogt, %div3A_391, %gt3A_397 : vector<128x1024xf32>
    %gt3A_399 = arith.cmpi sgt, %iota3A, %add3A_395 : vector<128x1024xi32>
    %and3A_400 = arith.andi %gt3A_398, %gt3A_399 : vector<128x1024xi1>
    %jit3A_401 = arith.constant 1.000000e+00 : f32
    %jit3A_402 = arith.constant 0.000000e+00 : f32
    %broadcast_in_dim3A_403 = vector.broadcast %jit3A_401 : f32 to vector<128x1024xf32>
    %broadcast_in_dim3A_404 = vector.broadcast %jit3A_402 : f32 to vector<128x1024xf32>
    %select_n3A_405 = arith.select %and3A_400, %broadcast_in_dim3A_403, %broadcast_in_dim3A_404 : vector<128x1024xi1>, vector<128x1024xf32>
    %swap3A_406 = arith.constant 640 : index
    %swap3A_407 = arith.constant 0 : index
    %swap3A_408 = vector.load %arg3[%swap3A_406, %swap3A_407] : memref<1024x1024xf32, #tpu.memory_space<vmem>>, vector<128x1024xf32>
    tpu.vector_store %arg3[%swap3A_406, %swap3A_407], %select_n3A_405 {strides = array<i32>} : memref<1024x1024xf32, #tpu.memory_space<vmem>>, vector<128x1024xf32>,
    %get3A_409 = arith.constant 768 : index
    %get3A_410 = arith.constant 0 : index
    %get3A_411 = vector.load %arg0[%get3A_409, %get3A_410] : memref<1024x4xf32, #tpu.memory_space<vmem>>, vector<128x4xf32>
    %slice3A_412 = vector.extract_strided_slice %get3A_411 {offsets = [0, 0], sizes = [128, 1], strides = [1, 1]} : vector<128x4xf32> to vector<128x1xf32>
    %slice3A_413 = vector.extract_strided_slice %get3A_411 {offsets = [0, 1], sizes = [128, 1], strides = [1, 1]} : vector<128x4xf32> to vector<128x1xf32>
    %slice3A_414 = vector.extract_strided_slice %get3A_411 {offsets = [0, 2], sizes = [128, 1], strides = [1, 1]} : vector<128x4xf32> to vector<128x1xf32>
    %slice3A_415 = vector.extract_strided_slice %get3A_411 {offsets = [0, 3], sizes = [128, 1], strides = [1, 1]} : vector<128x4xf32> to vector<128x1xf32>
    %sub3A_416 = arith.subf %slice3A_414, %slice3A_412 : vector<128x1xf32>
    %sub3A_417 = arith.subf %slice3A_415, %slice3A_413 : vector<128x1xf32>
    %mul3A_418 = arith.mulf %sub3A_416, %sub3A_417 : vector<128x1xf32>
    %get3A_419 = arith.constant 2 : index
    %get3A_420 = arith.constant 0 : index
    %get3A_421 = vector.load %arg1[%get3A_419, %get3A_420] : memref<4x1024xf32, #tpu.memory_space<vmem>>, vector<1x1024xf32>
    %min3A_422 = vector.broadcast %slice3A_414 : vector<128x1xf32> to vector<128x1024xf32>
    %min3A_423 = vector.broadcast %get3A_421 : vector<1x1024xf32> to vector<128x1024xf32>
    %min3A_424 = arith.minimumf %min3A_422, %min3A_423 : vector<128x1024xf32>
    %get3A_425 = arith.constant 0 : index
    %get3A_426 = arith.constant 0 : index
    %get3A_427 = vector.load %arg1[%get3A_425, %get3A_426] : memref<4x1024xf32, #tpu.memory_space<vmem>>, vector<1x1024xf32>
    %max3A_428 = vector.broadcast %slice3A_412 : vector<128x1xf32> to vector<128x1024xf32>
    %max3A_429 = vector.broadcast %get3A_427 : vector<1x1024xf32> to vector<128x1024xf32>
    %max3A_430 = arith.maximumf %max3A_428, %max3A_429 : vector<128x1024xf32>
    %sub3A_431 = arith.subf %min3A_424, %max3A_430 : vector<128x1024xf32>
    %max3A_432 = arith.constant 0.000000e+00 : f32
    %max3A_433 = vector.broadcast %max3A_432 : f32 to vector<128x1024xf32>
    %max3A_434 = arith.maximumf %sub3A_431, %max3A_433 : vector<128x1024xf32>
    %get3A_435 = arith.constant 3 : index
    %get3A_436 = arith.constant 0 : index
    %get3A_437 = vector.load %arg1[%get3A_435, %get3A_436] : memref<4x1024xf32, #tpu.memory_space<vmem>>, vector<1x1024xf32>
    %min3A_438 = vector.broadcast %slice3A_415 : vector<128x1xf32> to vector<128x1024xf32>
    %min3A_439 = vector.broadcast %get3A_437 : vector<1x1024xf32> to vector<128x1024xf32>
    %min3A_440 = arith.minimumf %min3A_438, %min3A_439 : vector<128x1024xf32>
    %get3A_441 = arith.constant 1 : index
    %get3A_442 = arith.constant 0 : index
    %get3A_443 = vector.load %arg1[%get3A_441, %get3A_442] : memref<4x1024xf32, #tpu.memory_space<vmem>>, vector<1x1024xf32>
    %max3A_444 = vector.broadcast %slice3A_413 : vector<128x1xf32> to vector<128x1024xf32>
    %max3A_445 = vector.broadcast %get3A_443 : vector<1x1024xf32> to vector<128x1024xf32>
    %max3A_446 = arith.maximumf %max3A_444, %max3A_445 : vector<128x1024xf32>
    %sub3A_447 = arith.subf %min3A_440, %max3A_446 : vector<128x1024xf32>
    %max3A_448 = arith.constant 0.000000e+00 : f32
    %max3A_449 = vector.broadcast %max3A_448 : f32 to vector<128x1024xf32>
    %max3A_450 = arith.maximumf %sub3A_447, %max3A_449 : vector<128x1024xf32>
    %mul3A_451 = arith.mulf %max3A_434, %max3A_450 : vector<128x1024xf32>
    %add3A_452 = vector.broadcast %mul3A_418 : vector<128x1xf32> to vector<128x1024xf32>
    %add3A_453 = vector.broadcast %mul3A : vector<1x1024xf32> to vector<128x1024xf32>
    %add3A_454 = arith.addf %add3A_452, %add3A_453 : vector<128x1024xf32>
    %sub3A_455 = arith.subf %add3A_454, %mul3A_451 : vector<128x1024xf32>
    %max3A_456 = arith.constant 9.99999997E-7 : f32
    %max3A_457 = vector.broadcast %max3A_456 : f32 to vector<128x1024xf32>
    %max3A_458 = arith.maximumf %sub3A_455, %max3A_457 : vector<128x1024xf32>
    %div3A_459 = arith.divf %mul3A_451, %max3A_458 : vector<128x1024xf32>
    %iota3A_460 = tpu.iota {dimensions = array<i32: 0>} : vector<128x1024xi32>
    %add3A_461 = arith.constant 768 : i32
    %add3A_462 = vector.broadcast %add3A_461 : i32 to vector<128x1024xi32>
    %add3A_463 = arith.addi %add3A_462, %iota3A_460 : vector<128x1024xi32>
    %gt3A_464 = arith.constant 6.000000e-01 : f32
    %gt3A_465 = vector.broadcast %gt3A_464 : f32 to vector<128x1024xf32>
    %gt3A_466 = arith.cmpf ogt, %div3A_459, %gt3A_465 : vector<128x1024xf32>
    %gt3A_467 = arith.cmpi sgt, %iota3A, %add3A_463 : vector<128x1024xi32>
    %and3A_468 = arith.andi %gt3A_466, %gt3A_467 : vector<128x1024xi1>
    %jit3A_469 = arith.constant 1.000000e+00 : f32
    %jit3A_470 = arith.constant 0.000000e+00 : f32
    %broadcast_in_dim3A_471 = vector.broadcast %jit3A_469 : f32 to vector<128x1024xf32>
    %broadcast_in_dim3A_472 = vector.broadcast %jit3A_470 : f32 to vector<128x1024xf32>
    %select_n3A_473 = arith.select %and3A_468, %broadcast_in_dim3A_471, %broadcast_in_dim3A_472 : vector<128x1024xi1>, vector<128x1024xf32>
    %swap3A_474 = arith.constant 768 : index
    %swap3A_475 = arith.constant 0 : index
    %swap3A_476 = vector.load %arg3[%swap3A_474, %swap3A_475] : memref<1024x1024xf32, #tpu.memory_space<vmem>>, vector<128x1024xf32>
    tpu.vector_store %arg3[%swap3A_474, %swap3A_475], %select_n3A_473 {strides = array<i32>} : memref<1024x1024xf32, #tpu.memory_space<vmem>>, vector<128x1024xf32>,
    %get3A_477 = arith.constant 896 : index
    %get3A_478 = arith.constant 0 : index
    %get3A_479 = vector.load %arg0[%get3A_477, %get3A_478] : memref<1024x4xf32, #tpu.memory_space<vmem>>, vector<128x4xf32>
    %slice3A_480 = vector.extract_strided_slice %get3A_479 {offsets = [0, 0], sizes = [128, 1], strides = [1, 1]} : vector<128x4xf32> to vector<128x1xf32>
    %slice3A_481 = vector.extract_strided_slice %get3A_479 {offsets = [0, 1], sizes = [128, 1], strides = [1, 1]} : vector<128x4xf32> to vector<128x1xf32>
    %slice3A_482 = vector.extract_strided_slice %get3A_479 {offsets = [0, 2], sizes = [128, 1], strides = [1, 1]} : vector<128x4xf32> to vector<128x1xf32>
    %slice3A_483 = vector.extract_strided_slice %get3A_479 {offsets = [0, 3], sizes = [128, 1], strides = [1, 1]} : vector<128x4xf32> to vector<128x1xf32>
    %sub3A_484 = arith.subf %slice3A_482, %slice3A_480 : vector<128x1xf32>
    %sub3A_485 = arith.subf %slice3A_483, %slice3A_481 : vector<128x1xf32>
    %mul3A_486 = arith.mulf %sub3A_484, %sub3A_485 : vector<128x1xf32>
    %get3A_487 = arith.constant 2 : index
    %get3A_488 = arith.constant 0 : index
    %get3A_489 = vector.load %arg1[%get3A_487, %get3A_488] : memref<4x1024xf32, #tpu.memory_space<vmem>>, vector<1x1024xf32>
    %min3A_490 = vector.broadcast %slice3A_482 : vector<128x1xf32> to vector<128x1024xf32>
    %min3A_491 = vector.broadcast %get3A_489 : vector<1x1024xf32> to vector<128x1024xf32>
    %min3A_492 = arith.minimumf %min3A_490, %min3A_491 : vector<128x1024xf32>
    %get3A_493 = arith.constant 0 : index
    %get3A_494 = arith.constant 0 : index
    %get3A_495 = vector.load %arg1[%get3A_493, %get3A_494] : memref<4x1024xf32, #tpu.memory_space<vmem>>, vector<1x1024xf32>
    %max3A_496 = vector.broadcast %slice3A_480 : vector<128x1xf32> to vector<128x1024xf32>
    %max3A_497 = vector.broadcast %get3A_495 : vector<1x1024xf32> to vector<128x1024xf32>
    %max3A_498 = arith.maximumf %max3A_496, %max3A_497 : vector<128x1024xf32>
    %sub3A_499 = arith.subf %min3A_492, %max3A_498 : vector<128x1024xf32>
    %max3A_500 = arith.constant 0.000000e+00 : f32
    %max3A_501 = vector.broadcast %max3A_500 : f32 to vector<128x1024xf32>
    %max3A_502 = arith.maximumf %sub3A_499, %max3A_501 : vector<128x1024xf32>
    %get3A_503 = arith.constant 3 : index
    %get3A_504 = arith.constant 0 : index
    %get3A_505 = vector.load %arg1[%get3A_503, %get3A_504] : memref<4x1024xf32, #tpu.memory_space<vmem>>, vector<1x1024xf32>
    %min3A_506 = vector.broadcast %slice3A_483 : vector<128x1xf32> to vector<128x1024xf32>
    %min3A_507 = vector.broadcast %get3A_505 : vector<1x1024xf32> to vector<128x1024xf32>
    %min3A_508 = arith.minimumf %min3A_506, %min3A_507 : vector<128x1024xf32>
    %get3A_509 = arith.constant 1 : index
    %get3A_510 = arith.constant 0 : index
    %get3A_511 = vector.load %arg1[%get3A_509, %get3A_510] : memref<4x1024xf32, #tpu.memory_space<vmem>>, vector<1x1024xf32>
    %max3A_512 = vector.broadcast %slice3A_481 : vector<128x1xf32> to vector<128x1024xf32>
    %max3A_513 = vector.broadcast %get3A_511 : vector<1x1024xf32> to vector<128x1024xf32>
    %max3A_514 = arith.maximumf %max3A_512, %max3A_513 : vector<128x1024xf32>
    %sub3A_515 = arith.subf %min3A_508, %max3A_514 : vector<128x1024xf32>
    %max3A_516 = arith.constant 0.000000e+00 : f32
    %max3A_517 = vector.broadcast %max3A_516 : f32 to vector<128x1024xf32>
    %max3A_518 = arith.maximumf %sub3A_515, %max3A_517 : vector<128x1024xf32>
    %mul3A_519 = arith.mulf %max3A_502, %max3A_518 : vector<128x1024xf32>
    %add3A_520 = vector.broadcast %mul3A_486 : vector<128x1xf32> to vector<128x1024xf32>
    %add3A_521 = vector.broadcast %mul3A : vector<1x1024xf32> to vector<128x1024xf32>
    %add3A_522 = arith.addf %add3A_520, %add3A_521 : vector<128x1024xf32>
    %sub3A_523 = arith.subf %add3A_522, %mul3A_519 : vector<128x1024xf32>
    %max3A_524 = arith.constant 9.99999997E-7 : f32
    %max3A_525 = vector.broadcast %max3A_524 : f32 to vector<128x1024xf32>
    %max3A_526 = arith.maximumf %sub3A_523, %max3A_525 : vector<128x1024xf32>
    %div3A_527 = arith.divf %mul3A_519, %max3A_526 : vector<128x1024xf32>
    %iota3A_528 = tpu.iota {dimensions = array<i32: 0>} : vector<128x1024xi32>
    %add3A_529 = arith.constant 896 : i32
    %add3A_530 = vector.broadcast %add3A_529 : i32 to vector<128x1024xi32>
    %add3A_531 = arith.addi %add3A_530, %iota3A_528 : vector<128x1024xi32>
    %gt3A_532 = arith.constant 6.000000e-01 : f32
    %gt3A_533 = vector.broadcast %gt3A_532 : f32 to vector<128x1024xf32>
    %gt3A_534 = arith.cmpf ogt, %div3A_527, %gt3A_533 : vector<128x1024xf32>
    %gt3A_535 = arith.cmpi sgt, %iota3A, %add3A_531 : vector<128x1024xi32>
    %and3A_536 = arith.andi %gt3A_534, %gt3A_535 : vector<128x1024xi1>
    %jit3A_537 = arith.constant 1.000000e+00 : f32
    %jit3A_538 = arith.constant 0.000000e+00 : f32
    %broadcast_in_dim3A_539 = vector.broadcast %jit3A_537 : f32 to vector<128x1024xf32>
    %broadcast_in_dim3A_540 = vector.broadcast %jit3A_538 : f32 to vector<128x1024xf32>
    %select_n3A_541 = arith.select %and3A_536, %broadcast_in_dim3A_539, %broadcast_in_dim3A_540 : vector<128x1024xi1>, vector<128x1024xf32>
    %swap3A_542 = arith.constant 896 : index
    %swap3A_543 = arith.constant 0 : index
    %swap3A_544 = vector.load %arg3[%swap3A_542, %swap3A_543] : memref<1024x1024xf32, #tpu.memory_space<vmem>>, vector<128x1024xf32>
    tpu.vector_store %arg3[%swap3A_542, %swap3A_543], %select_n3A_541 {strides = array<i32>} : memref<1024x1024xf32, #tpu.memory_space<vmem>>, vector<128x1024xf32>,
    %iota3A_545 = tpu.iota {dimensions = array<i32: 1>} : vector<1x1024xi32>
    %broadcast_in_dim3A_546 = arith.constant 1.000000e+00 : f32
    %broadcast_in_dim3A_547 = vector.broadcast %broadcast_in_dim3A_546 : f32 to vector<1x1024xf32>
    %scan3A = arith.constant 0 : i32
    %scan3A_548 = arith.constant 1000 : i32
    %scan3A_549 = arith.addi %scan3A, %scan3A_548 : i32
    %scan3A_550 = arith.constant 1 : i32
    %scan3A_551 = scf.for %scan3A_558 = %scan3A to %scan3A_549 step %scan3A_550 iter_args(%scan3A_559 = %broadcast_in_dim3A_547) -> (vector<1x1024xf32>)  : i32 {
      %get3A_560 = arith.index_cast %scan3A_558 : i32 to index
      %get3A_561 = arith.constant 0 : index
      %get3A_562 = vector.load %arg3[%get3A_560, %get3A_561] : memref<1024x1024xf32, #tpu.memory_space<vmem>>, vector<1x1024xf32>
      %eq3A = vector.broadcast %scan3A_558 : i32 to vector<1x1024xi32>
      %eq3A_563 = arith.cmpi eq, %iota3A_545, %eq3A : vector<1x1024xi32>
      %jit3A_564 = arith.constant 0.000000e+00 : f32
      %broadcast_in_dim3A_565 = vector.broadcast %jit3A_564 : f32 to vector<1x1024xf32>
      %select_n3A_566 = arith.select %eq3A_563, %scan3A_559, %broadcast_in_dim3A_565 : vector<1x1024xi1>, vector<1x1024xf32>
      %reduce_sum3A = arith.constant dense<0.000000e+00> : vector<1xf32>
      %reduce_sum3A_567 = vector.multi_reduction <add>, %select_n3A_566, %reduce_sum3A [1] : vector<1x1024xf32> to vector<1xf32>
      %broadcast_in_dim3A_568 = vector.shape_cast %reduce_sum3A_567 : vector<1xf32> to vector<1x1xf32>
      %mul3A_569 = vector.broadcast %broadcast_in_dim3A_568 : vector<1x1xf32> to vector<1x1024xf32>
      %mul3A_570 = arith.mulf %get3A_562, %mul3A_569 : vector<1x1024xf32>
      %sub3A_571 = arith.constant 1.000000e+00 : f32
      %sub3A_572 = vector.broadcast %sub3A_571 : f32 to vector<1x1024xf32>
      %sub3A_573 = arith.subf %sub3A_572, %mul3A_570 : vector<1x1024xf32>
      %mul3A_574 = arith.mulf %scan3A_559, %sub3A_573 : vector<1x1024xf32>
      scf.yield %mul3A_574 : vector<1x1024xf32>
    }
    %scan3A_552 = arith.constant 1000 : i32
    %broadcast_in_dim3A_553 = vector.shape_cast %scan3A_551 : vector<1x1024xf32> to vector<1x1024xf32>
    %broadcast_in_dim3A_554 = vector.broadcast %broadcast_in_dim3A_553 : vector<1x1024xf32> to vector<8x1024xf32>
    %swap3A_555 = arith.constant 0 : index
    %swap3A_556 = arith.constant 0 : index
    %swap3A_557 = vector.load %arg2[%swap3A_555, %swap3A_556] : memref<8x1024xf32, #tpu.memory_space<vmem>>, vector<8x1024xf32>
    tpu.vector_store %arg2[%swap3A_555, %swap3A_556], %broadcast_in_dim3A_554 {strides = array<i32>} : memref<8x1024xf32, #tpu.memory_space<vmem>>, vector<8x1024xf32>,
    return
  }
}

</mosaic_0001>

<sc_bundles>
// kernel: kernel.9.cloned.1.call-start
scs
__scs_entry_jumppad:
0x0: {  	(pc) =	sbr.rel $0x88, $3  }
0x1: {  	(tag) =	ssettag $0x0;
	lr =	simm.s32 $0x1  }
0x2: {  	[smem:$0x3F97] =	sst lr;
	_ =	strace $0xD0000000  }
0x3: {  	_ = 	snop  }
0x4: {  	_ = 	snop  }
0x5: {  	_ = 	snop  }
0x6: {  	_ = 	snop  }
0x7: {  	_ = 	snop  }
__scs_overlays_trampoline_lowered:
0x8: {  	[smem:$0x3FA6] =	sst s0  }
0x9: {  	[smem:$0x3FA7] =	sst s1  }
0xa: {  	[smem:$0x3FA8] =	sst s2  }
0xb: {  	[smem:$0x3FA9] =	sst s3  }
0xc: {  	[smem:$0x3FAA] =	sst s4  }
0xd: {  	[smem:$0x3FAB] =	sst s5  }
0xe: {  	[smem:$0x3FAC] =	sst s6  }
0xf: {  	[smem:$0x3FAD] =	sst s7  }
0x10: {  	[smem:$0x3FAE] =	sst s8  }
0x11: {  	[smem:$0x3FAF] =	sst s9;
	s0 =	simm.s32 @!p0 $0x0  }
0x12: {  	s1 =	sld [smem:$0x3F95];
	s0 =	simm.s32 @p0 $0x1  }
0x13: {  	[smem:$0x3FB0] =	sst s0;
	s0 =	simm.s32 @!p1 $0x0  }
0x14: {  	s2 =	sld [smem:$0x3F94];
	s0 =	simm.s32 @p1 $0x1  }
0x15: {  	[smem:$0x3FB1] =	sst s0;
	s0 =	simm.s32 @!p2 $0x0  }
0x16: {  	s3 =	sld [smem:$0x3FDB];
	s0 =	simm.s32 @p2 $0x1  }
0x17: {  	s4 =	simm.s32 $0x1BF5;
	[smem:$0x3FB3] =	sst s0  }
0x18: {  	s0 =	sld [smem:$0x3F96];
	_ =	swait.ge [sflag:s4], $0x0  }
0x19: {  	s7 =	sld [smem:$0x3F97]  }
0x1a: {  	s8 =	sadd.s32 $0xFFFFE003, lr  }
0x1b: {  	s9 =	sadd.s32 $0xFFFFFEF7, lr;
	s5 =	simm.s32 $0xFFFFFFFF;
	p2 =	slt.u32 s8, $0xFFFFF086  }
0x1c: {  	p1 =	slt.u32 s9, $0xF7A;
	s5 =	simm.s32 @!p2 $0x0  }
0x1d: {  	s5 =	simm.s32 @p1 $0x1;
	p0 =	seq.s32 s7, s2  }
0x1e: {  	s7 =	smul.u32 @!p0 $0xF7A, s2;
	p2 =	seq.s32 @!p0 s5, $0x0  }
0x1f: {  	s9 =	smul.u32 $0xF7A, s1;
	s8 =	simm.s32 @!p0 $0x1BF5;
	p2 =	por !p2, p0  }
0x20: {  	[sflag:s8] =	ssyncset.s32 @!p0 $0xFFFFF086;
	s6 =	sadd.s32 @!p0 s3, s7;
	s7 =	simm.s32 @!p0 $0x108  }
0x21: {  	s3 =	sadd.s32 s3, s9;
	s6 =	sadd.s32 @!p0 $0x88, s6;
	s7 =	simm.s32 @p2 $0x1082  }
0x22: {  	[simem:s7], [sflag:s8] =	dma.local @!p0 [hbm:s6], $0xF7A  }
0x23: {  	s9 =	sor.u32 $0xD0000000, s2;
	s6 =	simm.s32 $0x108;
	_ =	swait.ge @!p0 [sflag:s8], $0x0  }
0x24: {  	s3 =	sadd.s32 $0x88, s3;
	s6 =	simm.s32 @!p1 $0x1082;
	[sflag:s4] =	ssyncset.s32 $0xFFFFF086  }
0x25: {  	[simem:s6], [sflag:s4] =	dma.local [hbm:s3], $0xF7A  }
0x26: {  	[smem:$0x3F97] =	sst s1;
	(tag) =	ssettag s2;
	_ =	strace s9  }
0x27: {  	s1 =	sld [smem:$0x3FA7]  }
0x28: {  	s2 =	sld [smem:$0x3FA8]  }
0x29: {  	s4 =	sld [smem:$0x3FAA]  }
0x2a: {  	p0 =	seq.s32 s5, $0x0;
	s5 =	sld [smem:$0x3FAB]  }
0x2b: {  	s6 =	sld [smem:$0x3FAC]  }
0x2c: {  	s7 =	sld [smem:$0x3FAD]  }
0x2d: {  	s3 =	simm.s32 $0x108;
	s8 =	sld [smem:$0x3FAE]  }
0x2e: {  	s3 =	simm.s32 @!p0 $0x1082;
	s9 =	sld [smem:$0x3FAF]  }
0x2f: {  	lr =	sadd.s32 s0, s3;
	s0 =	sld [smem:$0x3FA6]  }
0x30: {  	s3 =	sld [smem:$0x3FA9]  }
0x31: {  	[smem:$0x3FB2] =	sst s10  }
0x32: {  	s10 =	sld [smem:$0x3FB0];
	_ =	sdelay $0x3  }
0x33: {  	p0 =	seq.s32 s10, $0x1;
	s10 =	sld [smem:$0x3FB2];
	_ =	sdelay $0x3  }
0x34: {  	[smem:$0x3FB2] =	sst s10  }
0x35: {  	s10 =	sld [smem:$0x3FB1];
	_ =	sdelay $0x3  }
0x36: {  	p1 =	seq.s32 s10, $0x1;
	s10 =	sld [smem:$0x3FB2];
	_ =	sdelay $0x3  }
0x37: {  	[smem:$0x3FB2] =	sst s10  }
0x38: {  	s10 =	sld [smem:$0x3FB3]  }
0x39: {  	_ = 	snop;
	(pc) =	sbr.ind lr, $3  }
0x3a: {  	_ = 	snop  }
0x3b: {  	_ = 	snop  }
0x3c: {  	p2 =	seq.s32 s10, $0x1;
	s10 =	sld [smem:$0x3FB2]  }
0x3d: {  	_ =	shalt  }
0x3e: {  	_ =	shalt  }
0x3f: {  	_ =	shalt  }
0x40: {  	_ =	shalt  }
0x41: {  	_ =	shalt  }
0x42: {  	_ =	shalt  }
0x43: {  	_ =	shalt  }
0x44: {  	_ =	shalt  }
0x45: {  	_ =	shalt  }
0x46: {  	_ =	shalt  }
0x47: {  	_ =	shalt  }
0x48: {  	_ =	shalt  }
0x49: {  	_ =	shalt  }
0x4a: {  	_ =	shalt  }
0x4b: {  	_ =	shalt  }
0x4c: {  	_ =	shalt  }
0x4d: {  	_ =	shalt  }
0x4e: {  	_ =	shalt  }
0x4f: {  	_ =	shalt  }
0x50: {  	_ =	shalt  }
0x51: {  	_ =	shalt  }
0x52: {  	_ =	shalt  }
0x53: {  	_ =	shalt  }
0x54: {  	_ =	shalt  }
0x55: {  	_ =	shalt  }
0x56: {  	_ =	shalt  }
0x57: {  	_ =	shalt  }
0x58: {  	_ =	shalt  }
0x59: {  	_ =	shalt  }
0x5a: {  	_ =	shalt  }
0x5b: {  	_ =	shalt  }
0x5c: {  	_ =	shalt  }
0x5d: {  	_ =	shalt  }
0x5e: {  	_ =	shalt  }
0x5f: {  	_ =	shalt  }
0x60: {  	_ =	shalt  }
0x61: {  	_ =	shalt  }
0x62: {  	_ =	shalt  }
0x63: {  	_ =	shalt  }
0x64: {  	_ =	shalt  }
0x65: {  	_ =	shalt  }
0x66: {  	_ =	shalt  }
0x67: {  	_ =	shalt  }
0x68: {  	_ =	shalt  }
0x69: {  	_ =	shalt  }
0x6a: {  	_ =	shalt  }
0x6b: {  	_ =	shalt  }
0x6c: {  	_ =	shalt  }
0x6d: {  	_ =	shalt  }
0x6e: {  	_ =	shalt  }
0x6f: {  	_ =	shalt  }
0x70: {  	_ =	shalt  }
0x71: {  	_ =	shalt  }
0x72: {  	_ =	shalt  }
0x73: {  	_ =	shalt  }
0x74: {  	_ =	shalt  }
0x75: {  	_ =	shalt  }
0x76: {  	_ =	shalt  }
0x77: {  	_ =	shalt  }
0x78: {  	_ =	shalt  }
0x79: {  	_ =	shalt  }
0x7a: {  	_ =	shalt  }
0x7b: {  	_ =	shalt  }
0x7c: {  	_ =	shalt  }
0x7d: {  	_ =	shalt  }
0x7e: {  	_ =	shalt  }
0x7f: {  	_ =	shalt  }
0x80: {  	_ =	shalt  }
0x81: {  	_ =	shalt  }
0x82: {  	_ =	shalt  }
0x83: {  	_ =	shalt  }
0x84: {  	_ =	shalt  }
0x85: {  	_ =	shalt  }
0x86: {  	_ =	shalt  }
0x87: {  	_ =	shalt  }
.Lfunc_end0:
.L_simem_size_0:
called_computation_lowered:
.L_overlay_start_0:
0x88: {  	s2 =	sld [smem:$0x3FD9]  }
0x89: {  	s3 =	sld [smem:$0x3FFE];
	_ =	sdelay $0x1  }
0x8a: {  	s1 =	srdreg.scid  }
0x8b: {  	s0 =	sand.u32 $0x1, s1  }
0x8c: {  	s17 =	sshll.u32 s0, $0xA;
	s2 =	sadd.s32 s3, s2  }
0x8d: {  	s2 =	sadd.s32 s2, s17  }
0x8e: {  	[smem:$0x3FBE] =	sst s2  }
0x8f: {  	_ = 	snop  }
0x90: {  	s2 =	sld [smem:$0x3FD0];
	(tm) =	ssettm $0x1  }
0x91: {  	s18 =	sld [smem:$0x3FFB];
	_ =	sdelay $0x3  }
0x92: {  	_ =	strace s18  }
0x93: {  	s3 =	sld [smem:$0x3FFC];
	_ =	sdelay $0x3  }
0x94: {  	_ =	strace s3  }
0x95: {  	s3 =	sld [smem:$0x3FFD];
	_ =	sdelay $0x3  }
0x96: {  	_ =	strace s3  }
0x97: {  	_ =	strace $0x8FFFFFFF  }
0x98: {  	s19 =	sld [smem:$0x3FDB];
	_ =	sdelay $0x1  }
0x99: {  	s4 =	simm.s32 $_scs_section_size  }
0x9a: {  	s5 =	simm.s32 $_size__tile_overlayer_lowered;
	s6 =	simm.s32 $_tile_overlayer_lowered  }
0x9b: {  	s22 =	simm.s32 $0x1BFF;
	s21 =	sshll.u32 s6, $0x1;
	s3 =	sadd.s32 s4, s19  }
0x9c: {  	s7 =	simm.s32 $0x0;
	s20 =	sshll.u32 s5, $0x1;
	s5 =	sadd.s32 s21, s3  }
0x9d: {  	[timem:s7], [sflag:s22] =	dma.local [hbm:s5], s20  }
0x9e: {  	_ =	swait.ge [sflag:s22], s20  }
0x9f: {  	s4 =	ssub.s32 $0x0, s20;
	[sflag:s22] =	ssyncset.done $0x0  }
0xa0: {  	[sflag:s22] =	ssyncadd.s32 s4;
	_ =	sdelay $0x1  }
0xa1: {  	s23 =	simm.s32 $0x1B8B  }
0xa2: {  	_ =	swait.ge [sflag:s23], $0x1  }
0xa3: {  	[sflag:s23] =	ssyncset.done $0x0  }
0xa4: {  	s25 =	simm.s32 $0x1B8E;
	s24 =	sld [smem:$0x3FFE];
	[sflag:s23] =	ssyncadd.s32 $0xFFFFFFFF  }
0xa5: {  	s26 =	simm.s32 $execute0_lowered;
	[smem:$0x3FD2] =	sst s25  }
0xa6: {  	s5 =	sshll.u32 s26, $0x1;
	_ =	strace $0x80000046;
	[dreg:$0x1] =	wrdreg $0xFFFFFFFF  }
0xa7: {  	s28 =	simm.s32 $_size_execute0_lowered;
	s3 =	sadd.s32 s3, s5;
	[dreg:$0x0] =	wrdreg $0x0  }
0xa8: {  	s5 =	sshll.u32 s28, $0x1;
	[dreg:$0x2] =	wrdreg s3  }
0xa9: {  	[dreg:$0x3] =	wrdreg s5  }
0xaa: {  	[dreg:$0x4] =	wrdreg $0xC0  }
0xab: {  	_ =	task [dreg:s7], $0x5FFFF  }
0xac: {  	[dreg:$0x1] =	wrdreg $0xFFFFFFFF  }
0xad: {  	[dreg:$0x0] =	wrdreg $0x60  }
0xae: {  	[dreg:$0x2] =	wrdreg s24  }
0xaf: {  	[dreg:$0x3] =	wrdreg s2  }
0xb0: {  	[dreg:$0x4] =	wrdreg $0x9  }
0xb1: {  	_ =	task.clear_ibuf [dreg:s7], $0x5FFFF;
	_ =	strace $0x90000046  }
0xb2: {  	s29 =	simm.s32 $0x9;
	_ =	strace $0x80000048  }
0xb3: {  	_ =	swait.ge [sflag:s29], $0x1  }
0xb4: {  	[sflag:s29] =	ssyncadd.s32 $0xFFFFFFFF  }
0xb5: {  	_ =	strace $0x90000048  }
0xb6: {  	_ =	sfence  }
0xb7: {  	s30 =	sld [smem:$0x0];
	_ =	sdelay $0x2  }
0xb8: {  	s31 =	sshll.u32 s1, $0xD;
	s1 =	sshrl.u32 s1, $0x2  }
0xb9: {  	s3 =	sand.u32 $0x4000, s31;
	s1 =	sadd.s32 s1, s30  }
0xba: {  	s0 =	sor.u32 s3, s0;
	s1 =	sshll.u32 s1, $0x11  }
0xbb: {  	s0 =	sor.u32 s1, s0  }
0xbc: {  	s0 =	sadd.s32 $0x8F2B, s0  }
0xbd: {  	[sflag:s0] =	ssyncadd.remote.s32 $0x1  }
0xbe: {  	_ =	sfence.sel $0xFFFF  }
0xbf: {  	[dreg:$0x0] =	wrdreg $0xFFFFFFFF;
	(pc) =	sbr.abs _section_cstart, $3  }
0xc0: {  	[dreg:$0x1] =	wrdreg $0xFFFFFFFF  }
0xc1: {  	_ =	task.clear_ibuf [dreg:s7], $0x2FFFF;
	_ =	strace $0x9FFFFFFF  }
0xc2: {  	(tm) =	ssettm $0x7FFFFFFF  }
0xc3: {  	_ =	shalt  }
tec
execute0_lowered:
.L_overlay_start_1:
0x0: {  	(tag) =	ssettag $0x1  }
0x1: {  	s1 =	srdreg.scid  }
0x2: {  	s2 =	rddreg [dreg:$0x0];
	s0 =	stileid.u32;
	s13 =	sand.u32 $0x1, s1  }
0x3: {  	s4 =	rddreg [dreg:$0x1];
	s5 =	sshll.u32 s0, $0x6;
	s6 =	sshll.u32 s13, $0x5  }
0x4: {  	s3 =	simm.s32 $0x0;
	s1 =	rddreg [dreg:$0x2];
	s6 =	sor.u32 s6, s5  }
0x5: {  	[smem:$0x7FF] =	sst s3;
	s5 =	sshrl.u32 s6, $0x3  }
0x6: {  	_ =	strace $0x80000047;
	s5 =	sadd.s32 s4, s5;
	s4 =	simm.s32 $0x2  }
0x7: {  	[tilespmem:s3], [sflag:$0x2] =	stream.linear.gather [hbm4b:s5+s3], $0x20, $0x38;
	[tilespmem:$0x180] =	vst v63  }
0x8: {  	_ =	swait.ge [sflag:s4], $0x20  }
0x9: {  	[sflag:s4] =	ssyncset.done $0x0  }
0xa: {  	[sflag:s4] =	ssyncadd.s32 $0xFFFFFFE0  }
0xb: {  	v0 =	vld [tilespmem:$0x0]  }
0xc: {  	v1 =	vld [tilespmem:$0x10];
	_ =	sdelay $0x2  }
0xd: {  	s8 =	simm.s32 $0x80  }
0xe: {  	s7 =	simm.s32 $0x100;
	s9 =	simm.s32 $0x1;
	s14 =	sshll.u32 s6, $0x2;
	[tilespmem:$0x80] =	vst v0  }
0xf: {  	s15 =	sand.u32 $0x60, s6;
	s6 =	simm.s32 $0x20;
	s10 =	sand.u32 $0xE00, s14;
	[tilespmem:$0x90] =	vst v1  }
0x10: {  	[tilespmem:s7], [sflag:$0x1] =	stream.indirect.gather [hbm4b:s2+s6], $0x1, s8, s6, $0xb8;
	[tilespmem:$0x180] =	vst v63  }
0x11: {  	s10 =	sor.u32 s15, s10;
	_ =	swait.ge [sflag:s9], $0x20  }
0x12: {  	s16 =	sadd.s32 $0xFA00, s2;
	s10 =	sshrl.u32 s10, $0x3;
	[sflag:s9] =	ssyncset.done $0x0  }
0x13: {  	s10 =	sadd.s32 s16, s10;
	[sflag:s9] =	ssyncadd.s32 $0xFFFFFFE0  }
0x14: {  	[hbm4b:s10+s3] =	stream.linear.scatter [tilespmem:s7], [sflag:$0x2], $0x20, $0x38;
	[tilespmem:$0x180] =	vst v63  }
0x15: {  	_ =	swait.ge [sflag:s4], $0x20  }
0x16: {  	[sflag:s4] =	ssyncset.done $0x0  }
0x17: {  	[sflag:s4] =	ssyncadd.s32 $0xFFFFFFE0  }
0x18: {  	v55 =	vld [tilespmem:$0x0]  }
0x19: {  	v56 =	vld [tilespmem:$0x10];
	_ =	sdelay $0x3  }
0x1a: {  	v0 =	vadd.s32 $0x1F400, v55  }
0x1b: {  	v57 =	vadd.s32 $0x1F400, v56;
	[tilespmem:$0x80] =	vst v0  }
0x1c: {  	[tilespmem:$0x90] =	vst v57  }
0x1d: {  	[tilespmem:s7], [sflag:$0x1] =	stream.indirect.gather [hbm4b:s2+s6], $0x1, s8, s6, $0xb8;
	[tilespmem:$0x180] =	vst v63  }
0x1e: {  	_ =	swait.ge [sflag:s9], $0x20  }
0x1f: {  	[sflag:s9] =	ssyncset.done $0x0  }
0x20: {  	s11 =	sadd.s32 $0x10, s10;
	[sflag:s9] =	ssyncadd.s32 $0xFFFFFFE0  }
0x21: {  	[hbm4b:s11+s3] =	stream.linear.scatter [tilespmem:s7], [sflag:$0x2], $0x20, $0x38;
	[tilespmem:$0x180] =	vst v63  }
0x22: {  	_ =	swait.ge [sflag:s4], $0x20  }
0x23: {  	[sflag:s4] =	ssyncset.done $0x0  }
0x24: {  	[sflag:s4] =	ssyncadd.s32 $0xFFFFFFE0  }
0x25: {  	v58 =	vld [tilespmem:$0x0]  }
0x26: {  	v59 =	vld [tilespmem:$0x10];
	_ =	sdelay $0x3  }
0x27: {  	v0 =	vadd.s32 $0x3E800, v58  }
0x28: {  	v60 =	vadd.s32 $0x3E800, v59;
	[tilespmem:$0x80] =	vst v0  }
0x29: {  	[tilespmem:$0x90] =	vst v60  }
0x2a: {  	[tilespmem:s7], [sflag:$0x1] =	stream.indirect.gather [hbm4b:s2+s6], $0x1, s8, s6, $0xb8;
	[tilespmem:$0x180] =	vst v63  }
0x2b: {  	_ =	swait.ge [sflag:s9], $0x20  }
0x2c: {  	[sflag:s9] =	ssyncset.done $0x0  }
0x2d: {  	s12 =	sadd.s32 $0x20, s10;
	[sflag:s9] =	ssyncadd.s32 $0xFFFFFFE0  }
0x2e: {  	[hbm4b:s12+s3] =	stream.linear.scatter [tilespmem:s7], [sflag:$0x2], $0x20, $0x38;
	[tilespmem:$0x180] =	vst v63  }
0x2f: {  	_ =	swait.ge [sflag:s4], $0x20  }
0x30: {  	[sflag:s4] =	ssyncset.done $0x0  }
0x31: {  	[sflag:s4] =	ssyncadd.s32 $0xFFFFFFE0  }
0x32: {  	v61 =	vld [tilespmem:$0x0]  }
0x33: {  	s13 =	ssub.s32 $0x2, s13;
	v62 =	vld [tilespmem:$0x10]  }
0x34: {  	s17 =	sshrl.u32 s13, $0x1  }
0x35: {  	s13 =	ssub.s32 s13, s17  }
0x36: {  	s30 =	smax.u32 s13, $0x1  }
0x37: {  	p0 =	sne.s32 s30, $0x1;
	v0 =	vadd.s32 $0x5DC00, v61  }
.Ltmp0:
0x38: {  	s14 =	sor.u32 s15, s14;
	v63 =	vadd.s32 $0x5DC00, v62;
	[tilespmem:$0x80] =	vst v0;
	(pc) =	sbr.rel @!p0 .LBB2_2-.Ltmp0, $4  }
0x39: {  	s14 =	sshrl.u32 s14, $0x3;
	[tilespmem:$0x90] =	vst v63  }
0x3a: {  	[tilespmem:s7], [sflag:$0x1] =	stream.indirect.gather [hbm4b:s2+s6], $0x1, s8, s6, $0xb8;
	[tilespmem:$0x180] =	vst v63  }
0x3b: {  	s31 =	sor.u32 $0x30, s14;
	_ =	swait.ge [sflag:s9], $0x20  }
0x3c: {  	s14 =	sadd.s32 $0xFFFFFFFF, s30;
	s13 =	sadd.s32 s16, s31;
	[sflag:s9] =	ssyncset.done $0x0  }
.LBB2_1:
0x3d: {  	p0 =	sne.s32 s14, $0x1;
	s14 =	sadd.s32 $0xFFFFFFFF, s14;
	[sflag:s9] =	ssyncadd.s32 $0xFFFFFFE0  }
0x3e: {  	[hbm4b:s13+s3] =	stream.linear.scatter [tilespmem:s7], [sflag:$0x2], $0x20, $0x38;
	[tilespmem:$0x180] =	vst v63  }
0x3f: {  	_ =	swait.ge [sflag:s4], $0x20  }
0x40: {  	[sflag:s4] =	ssyncset.done $0x0  }
0x41: {  	[sflag:s4] =	ssyncadd.s32 $0xFFFFFFE0  }
0x42: {  	[tilespmem:s3], [sflag:$0x2] =	stream.linear.gather [hbm4b:s5+s3], $0x20, $0x38;
	[tilespmem:$0x180] =	vst v63  }
0x43: {  	_ =	swait.ge [sflag:s4], $0x20  }
0x44: {  	[sflag:s4] =	ssyncset.done $0x0  }
0x45: {  	[sflag:s4] =	ssyncadd.s32 $0xFFFFFFE0  }
0x46: {  	v0 =	vld [tilespmem:$0x0]  }
0x47: {  	v1 =	vld [tilespmem:$0x10];
	_ =	sdelay $0x3  }
0x48: {  	[tilespmem:$0x80] =	vst v0  }
0x49: {  	[tilespmem:$0x90] =	vst v1  }
0x4a: {  	[tilespmem:s7], [sflag:$0x1] =	stream.indirect.gather [hbm4b:s2+s6], $0x1, s8, s6, $0xb8;
	[tilespmem:$0x180] =	vst v63  }
0x4b: {  	_ =	swait.ge [sflag:s9], $0x20  }
0x4c: {  	[sflag:s9] =	ssyncset.done $0x0  }
0x4d: {  	[sflag:s9] =	ssyncadd.s32 $0xFFFFFFE0  }
0x4e: {  	[hbm4b:s10+s3] =	stream.linear.scatter [tilespmem:s7], [sflag:$0x2], $0x20, $0x38;
	[tilespmem:$0x180] =	vst v63  }
0x4f: {  	_ =	swait.ge [sflag:s4], $0x20  }
0x50: {  	[sflag:s4] =	ssyncset.done $0x0  }
0x51: {  	[sflag:s4] =	ssyncadd.s32 $0xFFFFFFE0  }
0x52: {  	v0 =	vld [tilespmem:$0x0]  }
0x53: {  	v1 =	vld [tilespmem:$0x10];
	_ =	sdelay $0x3  }
0x54: {  	v0 =	vadd.s32 $0x1F400, v0  }
0x55: {  	[tilespmem:$0x80] =	vst v0;
	v0 =	vadd.s32 $0x1F400, v1  }
0x56: {  	[tilespmem:$0x90] =	vst v0  }
0x57: {  	[tilespmem:s7], [sflag:$0x1] =	stream.indirect.gather [hbm4b:s2+s6], $0x1, s8, s6, $0xb8;
	[tilespmem:$0x180] =	vst v63  }
0x58: {  	_ =	swait.ge [sflag:s9], $0x20  }
0x59: {  	[sflag:s9] =	ssyncset.done $0x0  }
0x5a: {  	[sflag:s9] =	ssyncadd.s32 $0xFFFFFFE0  }
0x5b: {  	[hbm4b:s11+s3] =	stream.linear.scatter [tilespmem:s7], [sflag:$0x2], $0x20, $0x38;
	[tilespmem:$0x180] =	vst v63  }
0x5c: {  	_ =	swait.ge [sflag:s4], $0x20  }
0x5d: {  	[sflag:s4] =	ssyncset.done $0x0  }
0x5e: {  	[sflag:s4] =	ssyncadd.s32 $0xFFFFFFE0  }
0x5f: {  	v0 =	vld [tilespmem:$0x0]  }
0x60: {  	v1 =	vld [tilespmem:$0x10];
	_ =	sdelay $0x3  }
0x61: {  	v0 =	vadd.s32 $0x3E800, v0  }
0x62: {  	[tilespmem:$0x80] =	vst v0;
	v0 =	vadd.s32 $0x3E800, v1  }
0x63: {  	[tilespmem:$0x90] =	vst v0  }
0x64: {  	[tilespmem:s7], [sflag:$0x1] =	stream.indirect.gather [hbm4b:s2+s6], $0x1, s8, s6, $0xb8;
	[tilespmem:$0x180] =	vst v63  }
0x65: {  	_ =	swait.ge [sflag:s9], $0x20  }
0x66: {  	[sflag:s9] =	ssyncset.done $0x0  }
0x67: {  	[sflag:s9] =	ssyncadd.s32 $0xFFFFFFE0  }
0x68: {  	[hbm4b:s12+s3] =	stream.linear.scatter [tilespmem:s7], [sflag:$0x2], $0x20, $0x38;
	[tilespmem:$0x180] =	vst v63  }
0x69: {  	_ =	swait.ge [sflag:s4], $0x20  }
0x6a: {  	[sflag:s4] =	ssyncset.done $0x0  }
0x6b: {  	[sflag:s4] =	ssyncadd.s32 $0xFFFFFFE0  }
0x6c: {  	v0 =	vld [tilespmem:$0x0]  }
0x6d: {  	v1 =	vld [tilespmem:$0x10];
	_ =	sdelay $0x3  }
0x6e: {  	v0 =	vadd.s32 $0x5DC00, v0  }
.Ltmp1:
0x6f: {  	[tilespmem:$0x80] =	vst v0;
	v0 =	vadd.s32 $0x5DC00, v1;
	(pc) =	sbr.rel @p0 .LBB2_1-.Ltmp1, $4  }
0x70: {  	[tilespmem:$0x90] =	vst v0  }
0x71: {  	[tilespmem:s7], [sflag:$0x1] =	stream.indirect.gather [hbm4b:s2+s6], $0x1, s8, s6, $0xb8;
	[tilespmem:$0x180] =	vst v63  }
0x72: {  	_ =	swait.ge [sflag:s9], $0x20  }
0x73: {  	[sflag:s9] =	ssyncset.done $0x0  }
.LBB2_2:
0x74: {  	[sflag:s9] =	ssyncadd.s32 $0xFFFFFFE0  }
0x75: {  	[hbm4b:s13+s3] =	stream.linear.scatter [tilespmem:s7], [sflag:$0x2], $0x20, $0x38;
	[tilespmem:$0x180] =	vst v63  }
0x76: {  	_ =	swait.ge [sflag:s4], $0x20  }
0x77: {  	[sflag:s4] =	ssyncset.done $0x0  }
0x78: {  	[sflag:s4] =	ssyncadd.s32 $0xFFFFFFE0  }
0x79: {  	_ =	sfence.sel $0x180000  }
0x7a: {  	[bflag:$0x0] =	sbarrier.arrive $0xFFFF  }
0x7b: {  	p0 =	sne.s32 s0, $0x0;
	_ =	strace $0x90000047  }
0x7c: {  	s0 =	sadd.s32 @!p0 $0x100000, s1;
	[bflag:$0x2] =	sbarrier.arrive $0xFFFF  }
0x7d: {  	[sflag:s0] =	ssyncadd.tile.s32 @!p0 $0x1;
	_ =	shalt  }
.Lfunc_end2:
_tile_overlayer_lowered:
.L_overlay_start_2:
0x7e: {  	(tag) =	ssettag $0x2  }
0x7f: {  	s0 =	rddreg [dreg:$0x0];
	s2 =	stileid.u32  }
0x80: {  	s1 =	rddreg [dreg:$0x1];
	p0 =	sne.s32 s2, $0x0  }
0x81: {  	s3 =	rddreg [dreg:$0x2];
	[bflag:$0x3] =	sbarrier.arrive $0xFFFF;
	s2 =	simm.s32 @!p0 $0x1C02  }
0x82: {  	[timem:s3], [sflag:s2] =	dma.local @!p0 [hbm:s0], s1  }
0x83: {  	s0 =	simm.s32 @!p0 $0x2  }
0x84: {  	_ =	swait.ge @!p0 [sflag:s0], s1  }
0x85: {  	s1 =	ssub.s32 @!p0 $0x0, s1;
	[sflag:s0] =	ssyncset.done @!p0 $0x0  }
0x86: {  	[sflag:s0] =	ssyncadd.s32 @!p0 s1  }
0x87: {  	[bflag:$0x3] =	sbarrier.arrive $0xFFFF  }
0x88: {  	_ =	shalt  }

</sc_bundles>
